<compile_context>
chip_gen: v7x
topology: tpu7x:2x2x1
jax: 0.10.2.dev20260603
libtpu: 0.0.44.dev20260713+nightly
codegen_flags: <defaults>
</compile_context>

<pallas_src>
import functools

import jax
import jax.numpy as jnp
from jax import lax
from jax.experimental import pallas as pl
from jax.experimental.pallas import tpu as pltpu
from jax.experimental.pallas import tpu_sc as plsc

_D = 1024
_H = 16
_DH = _D // _H
_BUCKET = 16
_NH = 4
_T = 2080
_BH = 32
_NBK = _T // _BUCKET // 2 * 2
_ROWS = _BH * _NH
_CH = 80
_NCHK = _T // _CH
_HISTP = 144
_NCHUNKS = _NH * (_T // _BUCKET)
_OW = 128
_G = 13
_GR = _G * _BUCKET
_NG = (_T // _BUCKET) // _G


def _mm_t_kernel(x_ref, w_ref, o_ref):
    o_ref[...] = jax.lax.dot_general(
        x_ref[...], w_ref[...], (((1,), (1,)), ((), ())),
        preferred_element_type=jnp.float32)


def _matmul_t(x, w, block_rows=520):
    R, K = x.shape
    N = w.shape[0]
    return pl.pallas_call(
        _mm_t_kernel,
        grid=(R // block_rows,),
        in_specs=[
            pl.BlockSpec((block_rows, K), lambda i: (i, 0)),
            pl.BlockSpec((N, K), lambda i: (0, 0)),
        ],
        out_specs=pl.BlockSpec((block_rows, N), lambda i: (i, 0)),
        out_shape=jax.ShapeDtypeStruct((R, N), jnp.float32),
    )(x, w)


def _qkv_kernel(x_ref, wqk_ref, wv_ref, o_ref):
    x = x_ref[0]
    qk = jax.lax.dot_general(
        x, wqk_ref[...], (((1,), (1,)), ((), ())),
        preferred_element_type=jnp.float32)
    v = jax.lax.dot_general(
        x, wv_ref[...], (((1,), (1,)), ((), ())),
        preferred_element_type=jnp.float32)
    o_ref[0, :, :_DH] = qk
    o_ref[0, :, _DH:] = v


def _qkv(xp, W_qk, W_v):
    b = xp.shape[0]
    return pl.pallas_call(
        _qkv_kernel,
        grid=(b, _H),
        in_specs=[
            pl.BlockSpec((1, _T, _D), lambda i, h: (i, 0, 0)),
            pl.BlockSpec((_DH, _D), lambda i, h: (h, 0)),
            pl.BlockSpec((_DH, _D), lambda i, h: (h, 0)),
        ],
        out_specs=pl.BlockSpec((1, _T, 2 * _DH), lambda i, h: (i * _H + h, 0, 0)),
        out_shape=jax.ShapeDtypeStruct((_BH, _T, 2 * _DH), jnp.float32),
    )(xp, W_qk, W_v)


def _bucket_kernel(qkv_ref, rot_ref, b_ref):
    x = qkv_ref[0]
    rT = jax.lax.dot_general(
        rot_ref[...], x[:, :_DH], (((0,), (1,)), ((), ())),
        preferred_element_type=jnp.float32)
    nb2 = _NBK // 2
    si = jax.lax.broadcasted_iota(jnp.int32, (nb2, _T), 0)
    for h in range(_NH):
        rh = rT[h * nb2:(h + 1) * nb2, :]
        mp = jnp.max(rh, axis=0, keepdims=True)
        mn = jnp.max(-rh, axis=0, keepdims=True)
        ap = jnp.min(jnp.where(rh == mp, si, nb2), axis=0, keepdims=True)
        an = jnp.min(jnp.where(-rh == mn, si, nb2), axis=0, keepdims=True)
        b_ref[0, h:h + 1, :] = jnp.where(mp >= mn, ap, nb2 + an)


def _bucketize(qkv, rot):
    return pl.pallas_call(
        _bucket_kernel,
        grid=(_BH,),
        in_specs=[
            pl.BlockSpec((1, _T, 2 * _DH), lambda i: (i, 0, 0)),
            pl.BlockSpec((_DH, _NH * (_NBK // 2)), lambda i: (0, 0)),
        ],
        out_specs=pl.BlockSpec((1, _NH, _T), lambda i: (i, 0, 0)),
        out_shape=jax.ShapeDtypeStruct((_BH, _NH, _T), jnp.int32),
    )(qkv, rot)


def _combine_kernel(ou_ref, o_ref):
    l = jnp.concatenate(
        [ou_ref[0, h, :, _DH:_DH + 1] for h in range(_NH)], axis=1)
    m = jnp.max(l, axis=1, keepdims=True)
    e = jnp.exp(l - m)
    s = jnp.sum(e, axis=1, keepdims=True)
    w = jnp.exp(l - m - jnp.log(s))
    acc = ou_ref[0, 0, :, :_DH] * w[:, 0:1]
    for h in range(1, _NH):
        acc = acc + ou_ref[0, h, :, :_DH] * w[:, h:h + 1]
    o_ref[0] = acc


def _combine(ou4):
    return pl.pallas_call(
        _combine_kernel,
        grid=(_BH,),
        in_specs=[pl.BlockSpec((1, _NH, _T, _OW), lambda i: (i, 0, 0, 0))],
        out_specs=pl.BlockSpec((1, _T, _DH), lambda i: (i, 0, 0)),
        out_shape=jax.ShapeDtypeStruct((_BH, _T, _DH), jnp.float32),
    )(ou4)


def _attn_kernel(sq_ref, tail_ref, str_ref, stt_ref, stc_ref, o_ref):
    x = sq_ref[0]
    tl = tail_ref[0]
    ext = jnp.concatenate([tl, x], axis=0)
    kall = ext[:, :_DH]
    nrm = jnp.sqrt(jnp.sum(kall * kall, axis=1, keepdims=True))
    kn = kall / jnp.maximum(nrm, 1e-12)
    vall = ext[:, _DH:]
    stk_all = jnp.concatenate([stt_ref[0], str_ref[0]], axis=1)
    ri = jax.lax.broadcasted_iota(jnp.int32, (_GR, _GR + _BUCKET), 0)
    ci = jax.lax.broadcasted_iota(jnp.int32, (_GR, _GR + _BUCKET), 1)
    qc = ri // _BUCKET
    cc = ci // _BUCKET
    bandneg = jnp.where((cc == qc) | (cc == qc + 1), 0.0, -1e30)
    for g in range(_NG):
        r0 = g * _GR
        q = x[r0:r0 + _GR, :_DH]
        k = kn[r0:r0 + _GR + _BUCKET]
        v = vall[r0:r0 + _GR + _BUCKET]
        d = jax.lax.dot_general(
            q, k, (((1,), (1,)), ((), ())),
            preferred_element_type=jnp.float32) * (_DH ** -0.5)
        stq = stc_ref[0][r0:r0 + _GR]
        stk = stk_all[:, r0:r0 + _GR + _BUCKET]
        d = jnp.where(stq == stk, -5e4, d) + bandneg
        m = jnp.max(d, axis=1, keepdims=True)
        ex = jnp.exp(d - m)
        s = jnp.sum(ex, axis=1, keepdims=True)
        lse = m + jnp.log(s)
        r = 1.0 / s
        r = r * (2.0 - s * r)
        bo = jax.lax.dot_general(
            ex, v, (((1,), (0,)), ((), ())),
            preferred_element_type=jnp.float32) * r
        o_ref[0, r0:r0 + _GR, :_DH] = bo
        o_ref[0, r0:r0 + _GR, _DH:] = jnp.broadcast_to(lse, (_GR, _OW - _DH))


def _attn(sqkv, st):
    sq = sqkv.reshape(_ROWS, _T, 2 * _DH)
    tails = sq[:, _T - _BUCKET:, :]
    st_r = st.reshape(_ROWS, 1, _T)
    stt_r = st[:, _T - _BUCKET:].reshape(_ROWS, 1, _BUCKET)
    st_c = st.reshape(_ROWS, _T, 1)
    prev = lambda b, h: b * _NH + (h + _NH - 1) % _NH
    return pl.pallas_call(
        _attn_kernel,
        grid=(_BH, _NH),
        in_specs=[
            pl.BlockSpec((1, _T, 2 * _DH), lambda b, h: (b * _NH + h, 0, 0)),
            pl.BlockSpec((1, _BUCKET, 2 * _DH), lambda b, h: (prev(b, h), 0, 0)),
            pl.BlockSpec((1, 1, _T), lambda b, h: (b * _NH + h, 0, 0)),
            pl.BlockSpec((1, 1, _BUCKET), lambda b, h: (prev(b, h), 0, 0)),
            pl.BlockSpec((1, _T, 1), lambda b, h: (b * _NH + h, 0, 0)),
        ],
        out_specs=pl.BlockSpec((1, _T, _OW), lambda b, h: (b * _NH + h, 0, 0)),
        out_shape=jax.ShapeDtypeStruct((_ROWS, _T, _OW), jnp.float32),
        compiler_params=pltpu.CompilerParams(
            dimension_semantics=("parallel", "parallel")),
    )(sq, tails, st_r, stt_r, st_c)


_sc_mesh = plsc.VectorSubcoreMesh(core_axis_name="c", subcore_axis_name="s")


@functools.partial(
    pl.kernel, mesh=_sc_mesh,
    compiler_params=pltpu.CompilerParams(needs_layout_passes=False),
    out_type=[
        jax.ShapeDtypeStruct((_ROWS, _T), jnp.int32),
        jax.ShapeDtypeStruct((_ROWS, _NCHK, _CH), jnp.int32),
        jax.ShapeDtypeStruct((_BH * _NH * _T, 2 * _DH), jnp.float32),
    ],
    scratch_types=[
        pltpu.VMEM((_T,), jnp.int32),
        pltpu.VMEM((_T,), jnp.int32),
        pltpu.VMEM((_HISTP,), jnp.int32),
        pltpu.VMEM((_NCHK, _CH), jnp.int32),
        pltpu.VMEM((_NCHK, _CH), jnp.int32),
        pltpu.VMEM((_CH, 2 * _DH), jnp.float32),
        pltpu.SemaphoreType.DMA,
    ])
def _sc_sort_gather(bkt_hbm, qkv_hbm, st_hbm, gidx2_hbm, sqkv_hbm,
                    bkt_v, st_v, hist_v, sidx_v, g2_v, buf_v, sem):
    wid = lax.axis_index("s") * 2 + lax.axis_index("c")

    def row_body(j, carry):
        r = wid * 4 + j
        bh = r // _NH
        qk_base = bh * _T
        out_base = r * _T

        pltpu.sync_copy(bkt_hbm.at[r], bkt_v)

        def z_body(i, c):
            hist_v[pl.ds(i * 16, 16)] = jnp.zeros((16,), jnp.int32)
            return c
        lax.fori_loop(0, _HISTP // 16, z_body, 0)

        def h_body(i, c):
            b = bkt_v[pl.ds(i * 16, 16)]
            cnt, last = plsc.scan_count(b)
            plsc.addupdate_scatter(hist_v, [b], cnt, mask=last)
            return c
        lax.fori_loop(0, _T // 16, h_body, 0)

        def s_body(i, c):
            v = hist_v[pl.ds(i * 16, 16)]
            inc = plsc.cumsum(v)
            hist_v[pl.ds(i * 16, 16)] = inc - v + c
            return c + jnp.sum(v)
        lax.fori_loop(0, _HISTP // 16, s_body, 0)

        def p_body(i, c):
            b = bkt_v[pl.ds(i * 16, 16)]
            cnt, last = plsc.scan_count(b)
            cur = plsc.load_gather(hist_v, [b])
            p = cur + cnt - 1
            t = lax.iota(jnp.int32, 16) + i * 16
            plsc.store_scatter(st_v, [p], t)
            plsc.store_scatter(sidx_v, [p // _CH, p % _CH], t + qk_base)
            plsc.store_scatter(g2_v, [t // _CH, t % _CH], p + out_base)
            plsc.addupdate_scatter(hist_v, [b], cnt, mask=last)
            return c
        lax.fori_loop(0, _T // 16, p_body, 0)

        pltpu.sync_copy(st_v, st_hbm.at[r])
        pltpu.sync_copy(g2_v, gidx2_hbm.at[r])

        def c_body(k, c):
            pltpu.async_copy(qkv_hbm.at[sidx_v.at[k]], buf_v, sem).wait()
            pltpu.sync_copy(buf_v, sqkv_hbm.at[pl.ds(out_base + k * _CH, _CH)])
            return c
        lax.fori_loop(0, _NCHK, c_body, 0)
        return carry

    lax.fori_loop(0, _ROWS // 32, row_body, 0)


@functools.partial(
    pl.kernel, mesh=_sc_mesh,
    compiler_params=pltpu.CompilerParams(needs_layout_passes=False),
    out_type=jax.ShapeDtypeStruct((_BH * _NH * _T, _OW), jnp.float32),
    scratch_types=[
        pltpu.VMEM((_NCHK, _CH), jnp.int32),
        pltpu.VMEM((_CH, _OW), jnp.float32),
        pltpu.SemaphoreType.DMA,
    ])
def _sc_unsort(sol_hbm, gidx2_hbm, ou_hbm, g2_v, buf_v, sem):
    wid = lax.axis_index("s") * 2 + lax.axis_index("c")

    def row_body(j, carry):
        r = wid * 4 + j
        out_base = r * _T
        pltpu.sync_copy(gidx2_hbm.at[r], g2_v)

        def c_body(k, c):
            pltpu.async_copy(sol_hbm.at[g2_v.at[k]], buf_v, sem).wait()
            pltpu.sync_copy(buf_v, ou_hbm.at[pl.ds(out_base + k * _CH, _CH)])
            return c
        lax.fori_loop(0, _NCHK, c_body, 0)
        return carry

    lax.fori_loop(0, _ROWS // 32, row_body, 0)


def kernel(x, W_qk, W_v, W_out, b_out):
    b, l, d = x.shape
    pad = 2 * _BUCKET - l % (2 * _BUCKET)
    xp = jnp.concatenate([x, jnp.zeros((b, pad, d), x.dtype)], axis=1)
    t = l + pad

    qkv3 = _qkv(xp, W_qk, W_v)
    rot = jax.random.normal(jax.random.key(42), (_DH, _NH, _NBK // 2),
                            dtype=jnp.float32).reshape(_DH, _NH * (_NBK // 2))
    bkt = _bucketize(qkv3, rot).reshape(_ROWS, _T)

    st, gidx2, sqkv = _sc_sort_gather(bkt, qkv3.reshape(_BH * _T, 2 * _DH))

    sol = _attn(sqkv, st).reshape(_BH * _NH * _T, _OW)
    ou = _sc_unsort(sol, gidx2).reshape(_BH, _NH, _T, _OW)

    ctx = _combine(ou)
    attn = ctx.reshape(b, _H, t, _DH).transpose(0, 2, 1, 3).reshape(b, t, d)
    out = _matmul_t(attn.reshape(b * t, d), W_out).reshape(b, t, d) + b_out
    return out[:, :-pad, :]

# --- scband reference (transcript-rebuilt; emitter-appended) ---
"""Pipeline reference for scband-lsh-self-attention-10093173145851 (READ-ONLY COPY).

The authoritative reference and input builder live on the scoring server;
editing this copy changes nothing except your own understanding.
"""

import jax, jax.numpy as jnp
import numpy as np

D_HIDDEN = 1024
N_HEADS = 16
D_HEAD = D_HIDDEN // N_HEADS
BUCKET_SIZE = 16
N_HASHES = 4


def setup_inputs(seed: int = 0) -> dict:
    key = jax.random.key(seed)
    ks = jax.random.split(key, 5)
    x = jax.random.normal(ks[0], (2, 2048, D_HIDDEN), dtype=jnp.float32)
    s = 1.0 / np.sqrt(D_HIDDEN)
    W_qk = jax.random.normal(ks[1], (D_HIDDEN, D_HIDDEN), dtype=jnp.float32) * s
    W_v = jax.random.normal(ks[2], (D_HIDDEN, D_HIDDEN), dtype=jnp.float32) * s
    W_out = jax.random.normal(ks[3], (D_HIDDEN, D_HIDDEN), dtype=jnp.float32) * s
    b_out = jnp.zeros((D_HIDDEN,), dtype=jnp.float32)
    return {"x": x, "W_qk": W_qk, "W_v": W_v, "W_out": W_out, "b_out": b_out}


def _lsh_attend(qk, v, bucket_size, n_hashes):
    # qk, v: (b*h, t, d_head); shared-QK LSH attention (Reformer), causal=False,
    # attend_across_buckets=True, allow_duplicate_attention=True (defaults).
    bh, t, dh = qk.shape
    n_buckets = t // bucket_size
    # random rotations (shared across batch/heads), fixed key for determinism
    rot = jax.random.normal(jax.random.key(42), (dh, n_hashes, n_buckets // 2), dtype=jnp.float32)
    rotated = jnp.einsum('btf,fhi->bhti', qk, rot)
    rotated = jnp.concatenate([rotated, -rotated], axis=-1)  # (bh, n_hashes, t, n_buckets)
    buckets = jnp.argmax(rotated, axis=-1)  # (bh, n_hashes, t)
    offsets = (jnp.arange(n_hashes) * n_buckets)[None, :, None]
    buckets = (buckets + offsets).reshape(bh, n_hashes * t)
    ticker = jnp.tile(jnp.arange(n_hashes * t)[None, :], (bh, 1))
    buckets_and_t = t * buckets + (ticker % t)
    sticker = jnp.argsort(buckets_and_t, axis=-1)
    undo_sort = jnp.argsort(sticker, axis=-1)
    st = sticker % t
    sqk = jnp.take_along_axis(qk, st[..., None], axis=1)
    sv = jnp.take_along_axis(v, st[..., None], axis=1)
    n_chunks = n_hashes * n_buckets
    bq_t = st.reshape(bh, n_chunks, bucket_size)
    bqk = sqk.reshape(bh, n_chunks, bucket_size, dh)
    bv = sv.reshape(bh, n_chunks, bucket_size, dh)
    bq = bqk
    bk = bqk / jnp.clip(jnp.linalg.norm(bqk, axis=-1, keepdims=True), 1e-12, None)

    def look_one_back(a):
        return jnp.concatenate([a, jnp.roll(a, 1, axis=1)], axis=2)

    bk = look_one_back(bk)
    bv2 = look_one_back(bv)
    bkv_t = look_one_back(bq_t)
    dots = jnp.einsum('bcie,bcje->bcij', bq, bk) * (dh ** -0.5)
    self_mask = bq_t[:, :, :, None] == bkv_t[:, :, None, :]
    dots = jnp.where(self_mask, -5e4, dots)
    dots_lse = jax.nn.logsumexp(dots, axis=-1, keepdims=True)
    p = jnp.exp(dots - dots_lse)
    bo = jnp.einsum('bcij,bcje->bcie', p, bv2)
    so = bo.reshape(bh, -1, dh)
    slogits = dots_lse.reshape(bh, -1)
    o = jnp.take_along_axis(so, undo_sort[..., None], axis=1)
    logits = jnp.take_along_axis(slogits, undo_sort, axis=1)
    o = o.reshape(bh, n_hashes, t, dh)
    logits = logits.reshape(bh, n_hashes, t, 1)
    probs = jnp.exp(logits - jax.nn.logsumexp(logits, axis=1, keepdims=True))
    return jnp.sum(o * probs, axis=1)


def reference(x, W_qk, W_v, W_out, b_out):
    b, l, d = x.shape
    pad = 2 * BUCKET_SIZE - l % (2 * BUCKET_SIZE)
    xp = jnp.concatenate([x, jnp.zeros((b, pad, d), x.dtype)], axis=1)
    t = l + pad
    qk = xp @ W_qk.T
    v = xp @ W_v.T

    def split_heads(a):
        return a.reshape(b, t, N_HEADS, D_HEAD).transpose(0, 2, 1, 3).reshape(b * N_HEADS, t, D_HEAD)

    attn = _lsh_attend(split_heads(qk), split_heads(v), BUCKET_SIZE, N_HASHES)
    attn = attn.reshape(b, N_HEADS, t, D_HEAD).transpose(0, 2, 1, 3).reshape(b, t, d)
    out = attn @ W_out.T + b_out
    return out[:, :-pad, :]

if __name__ == "__main__":
    import jax
    _d = setup_inputs()
    print(jax.jit(kernel)(*tuple(_d.values())))

</pallas_src>

<mosaic_0001>
#map = affine_map<(d0, d1) -> (0, 0)>
#map1 = affine_map<(d0, d1) -> (0, 0, 0)>
module attributes {stable_mosaic.version = 14 : i64} {
  func.func @_sc_unsort(%arg0: i32, %arg1: i32, %arg2: memref<266240x128xf32, #tpu.memory_space<hbm>>, %arg3: memref<128x26x80xi32, #tpu.memory_space<hbm>>, %arg4: memref<266240x128xf32, #tpu.memory_space<hbm>>, %arg5: memref<26x80xi32, #tpu.memory_space<vmem>>, %arg6: memref<80x128xf32, #tpu.memory_space<vmem>>, %arg7: memref<!tpu.dma_semaphore, #tpu.memory_space<semaphore_mem>>) attributes {dimension_semantics = [#tpu.dimension_semantics<core_parallel>, #tpu.dimension_semantics<subcore_parallel>], iteration_bounds = array<i64: 2, 16>, scalar_prefetch = 0 : i64, scratch_operands = 3 : i64, tpu.core_type = #tpu.core_type<sc_vector_subcore>, window_params = [{transform_indices = #map}, {transform_indices = #map1}, {transform_indices = #map}]} {
    %mul3A = arith.constant 2 : i32
    %mul3A_0 = arith.muli %arg1, %mul3A : i32
    %add3A = arith.addi %mul3A_0, %arg0 : i32
    %scan3A = arith.constant 0 : i32
    %scan3A_1 = arith.constant 0 : i32
    %scan3A_2 = arith.constant 4 : i32
    %scan3A_3 = arith.addi %scan3A_1, %scan3A_2 : i32
    %scan3A_4 = arith.constant 1 : i32
    scf.for %scan3A_6 = %scan3A_1 to %scan3A_3 step %scan3A_4  : i32 {
      %mul3A_7 = arith.constant 4 : i32
      %mul3A_8 = arith.muli %add3A, %mul3A_7 : i32
      %add3A_9 = arith.addi %mul3A_8, %scan3A_6 : i32
      %mul3A_10 = arith.constant 2080 : i32
      %mul3A_11 = arith.muli %add3A_9, %mul3A_10 : i32
      "tpu.region"() ({
        %run_scoped3A = tpu.sem_alloc : memref<!tpu.dma_semaphore, #tpu.memory_space<semaphore_mem>>
        %dma_start3A = arith.constant 0 : i32
        %dma_start3A_18 = arith.constant 0 : i32
        %dma_start3A_19 = tpu.memref_slice %arg3[%add3A_9, %dma_start3A, %dma_start3A_18] : memref<128x26x80xi32, #tpu.memory_space<hbm>> -> memref<1x26x80xi32, #tpu.memory_space<hbm>>
        %dma_start3A_20 = tpu.memref_squeeze %dma_start3A_19 : memref<1x26x80xi32, #tpu.memory_space<hbm>> -> memref<26x80xi32, #tpu.memory_space<hbm>>
        %dma_start3A_21 = arith.constant 0 : i32
        %dma_start3A_22 = arith.constant 0 : i32
        %dma_start3A_23 = tpu.memref_slice %arg3[%add3A_9, %dma_start3A_21, %dma_start3A_22] : memref<128x26x80xi32, #tpu.memory_space<hbm>> -> memref<1x26x80xi32, #tpu.memory_space<hbm>>
        %dma_start3A_24 = tpu.memref_squeeze %dma_start3A_23 : memref<1x26x80xi32, #tpu.memory_space<hbm>> -> memref<26x80xi32, #tpu.memory_space<hbm>>
        tpu.enqueue_dma source(%dma_start3A_24 : memref<26x80xi32, #tpu.memory_space<hbm>>) target(%arg5 : memref<26x80xi32, #tpu.memory_space<vmem>>) target_semaphore(%run_scoped3A : memref<!tpu.dma_semaphore, #tpu.memory_space<semaphore_mem>>)
        %dma_wait3A = arith.constant 0 : i32
        %dma_wait3A_25 = arith.constant 0 : i32
        %dma_wait3A_26 = tpu.memref_slice %arg3[%add3A_9, %dma_wait3A, %dma_wait3A_25] : memref<128x26x80xi32, #tpu.memory_space<hbm>> -> memref<1x26x80xi32, #tpu.memory_space<hbm>>
        %dma_wait3A_27 = tpu.memref_squeeze %dma_wait3A_26 : memref<1x26x80xi32, #tpu.memory_space<hbm>> -> memref<26x80xi32, #tpu.memory_space<hbm>>
        %dma_wait3A_28 = arith.constant 0 : i32
        %dma_wait3A_29 = arith.constant 0 : i32
        %dma_wait3A_30 = tpu.memref_slice %arg3[%add3A_9, %dma_wait3A_28, %dma_wait3A_29] : memref<128x26x80xi32, #tpu.memory_space<hbm>> -> memref<1x26x80xi32, #tpu.memory_space<hbm>>
        %dma_wait3A_31 = tpu.memref_squeeze %dma_wait3A_30 : memref<1x26x80xi32, #tpu.memory_space<hbm>> -> memref<26x80xi32, #tpu.memory_space<hbm>>
        tpu.wait_dma2 semaphore(%run_scoped3A : memref<!tpu.dma_semaphore, #tpu.memory_space<semaphore_mem>>) src(%dma_wait3A_31 : memref<26x80xi32, #tpu.memory_space<hbm>>) dst(%arg5 : memref<26x80xi32, #tpu.memory_space<vmem>>)
        tpu.yield
      }) : () -> ()
      %scan3A_12 = arith.constant 0 : i32
      %scan3A_13 = arith.constant 0 : i32
      %scan3A_14 = arith.constant 26 : i32
      %scan3A_15 = arith.addi %scan3A_13, %scan3A_14 : i32
      %scan3A_16 = arith.constant 1 : i32
      scf.for %scan3A_18 = %scan3A_13 to %scan3A_15 step %scan3A_16  : i32 {
        %dma_start3A = arith.constant 0 : i32
        %dma_start3A_19 = tpu.memref_slice %arg5[%scan3A_18, %dma_start3A] : memref<26x80xi32, #tpu.memory_space<vmem>> -> memref<1x80xi32, #tpu.memory_space<vmem>>
        %dma_start3A_20 = tpu.memref_squeeze %dma_start3A_19 : memref<1x80xi32, #tpu.memory_space<vmem>> -> memref<80xi32, #tpu.memory_space<vmem>>
        %dma_start3A_21 = arith.constant 0 : i32
        %dma_start3A_22 = arith.constant 0 : i32
        %dma_start3A_23 = tpu.memref_slice %arg2[%dma_start3A_21, %dma_start3A_22] : memref<266240x128xf32, #tpu.memory_space<hbm>> -> memref<266240x128xf32, #tpu.memory_space<hbm>>
        tpu.enqueue_indirect_dma source(%dma_start3A_23 : memref<266240x128xf32, #tpu.memory_space<hbm>>) target(%arg6 : memref<80x128xf32, #tpu.memory_space<vmem>>) offsets(%dma_start3A_20 : memref<80xi32, #tpu.memory_space<vmem>>) semaphore(%arg7 : memref<!tpu.dma_semaphore, #tpu.memory_space<semaphore_mem>>)
        %dma_wait3A = arith.constant 0 : i32
        %dma_wait3A_24 = tpu.memref_slice %arg5[%scan3A_18, %dma_wait3A] : memref<26x80xi32, #tpu.memory_space<vmem>> -> memref<1x80xi32, #tpu.memory_space<vmem>>
        %dma_wait3A_25 = tpu.memref_squeeze %dma_wait3A_24 : memref<1x80xi32, #tpu.memory_space<vmem>> -> memref<80xi32, #tpu.memory_space<vmem>>
        %dma_wait3A_26 = arith.constant 0 : i32
        %dma_wait3A_27 = arith.constant 0 : i32
        %dma_wait3A_28 = tpu.memref_slice %arg2[%dma_wait3A_26, %dma_wait3A_27] : memref<266240x128xf32, #tpu.memory_space<hbm>> -> memref<266240x128xf32, #tpu.memory_space<hbm>>
        tpu.wait_indirect_dma semaphore(%arg7 : memref<!tpu.dma_semaphore, #tpu.memory_space<semaphore_mem>>) src(%dma_wait3A_28 : memref<266240x128xf32, #tpu.memory_space<hbm>>) dst(%arg6 : memref<80x128xf32, #tpu.memory_space<vmem>>)
        %mul3A_29 = arith.constant 80 : i32
        %mul3A_30 = arith.muli %scan3A_18, %mul3A_29 : i32
        %add3A_31 = arith.addi %mul3A_11, %mul3A_30 : i32
        "tpu.region"() ({
          %run_scoped3A = tpu.sem_alloc : memref<!tpu.dma_semaphore, #tpu.memory_space<semaphore_mem>>
          %dma_start3A_32 = arith.constant 0 : i32
          %dma_start3A_33 = tpu.memref_slice %arg4[%add3A_31, %dma_start3A_32] : memref<266240x128xf32, #tpu.memory_space<hbm>> -> memref<80x128xf32, #tpu.memory_space<hbm>>
          %dma_start3A_34 = arith.constant 0 : i32
          %dma_start3A_35 = tpu.memref_slice %arg4[%add3A_31, %dma_start3A_34] : memref<266240x128xf32, #tpu.memory_space<hbm>> -> memref<80x128xf32, #tpu.memory_space<hbm>>
          tpu.enqueue_dma source(%arg6 : memref<80x128xf32, #tpu.memory_space<vmem>>) target(%dma_start3A_35 : memref<80x128xf32, #tpu.memory_space<hbm>>) target_semaphore(%run_scoped3A : memref<!tpu.dma_semaphore, #tpu.memory_space<semaphore_mem>>)
          %dma_wait3A_36 = arith.constant 0 : i32
          %dma_wait3A_37 = tpu.memref_slice %arg4[%add3A_31, %dma_wait3A_36] : memref<266240x128xf32, #tpu.memory_space<hbm>> -> memref<80x128xf32, #tpu.memory_space<hbm>>
          %dma_wait3A_38 = arith.constant 0 : i32
          %dma_wait3A_39 = tpu.memref_slice %arg4[%add3A_31, %dma_wait3A_38] : memref<266240x128xf32, #tpu.memory_space<hbm>> -> memref<80x128xf32, #tpu.memory_space<hbm>>
          tpu.wait_dma2 semaphore(%run_scoped3A : memref<!tpu.dma_semaphore, #tpu.memory_space<semaphore_mem>>) src(%arg6 : memref<80x128xf32, #tpu.memory_space<vmem>>) dst(%dma_wait3A_39 : memref<80x128xf32, #tpu.memory_space<hbm>>)
          tpu.yield
        }) : () -> ()
      }
      %scan3A_17 = arith.constant 26 : i32
    }
    %scan3A_5 = arith.constant 4 : i32
    return
  }
}

#map = affine_map<(d0, d1) -> (0, 0)>
#map1 = affine_map<(d0, d1) -> (0, 0, 0)>
module attributes {stable_mosaic.version = 14 : i64} {
  func.func @_sc_sort_gather(%arg0: i32, %arg1: i32, %arg2: memref<128x2080xi32, #tpu.memory_space<hbm>>, %arg3: memref<66560x128xf32, #tpu.memory_space<hbm>>, %arg4: memref<128x2080xi32, #tpu.memory_space<hbm>>, %arg5: memref<128x26x80xi32, #tpu.memory_space<hbm>>, %arg6: memref<266240x128xf32, #tpu.memory_space<hbm>>, %arg7: memref<2080xi32, #tpu.memory_space<vmem>>, %arg8: memref<2080xi32, #tpu.memory_space<vmem>>, %arg9: memref<144xi32, #tpu.memory_space<vmem>>, %arg10: memref<26x80xi32, #tpu.memory_space<vmem>>, %arg11: memref<26x80xi32, #tpu.memory_space<vmem>>, %arg12: memref<80x128xf32, #tpu.memory_space<vmem>>, %arg13: memref<!tpu.dma_semaphore, #tpu.memory_space<semaphore_mem>>) attributes {dimension_semantics = [#tpu.dimension_semantics<core_parallel>, #tpu.dimension_semantics<subcore_parallel>], iteration_bounds = array<i64: 2, 16>, scalar_prefetch = 0 : i64, scratch_operands = 7 : i64, tpu.core_type = #tpu.core_type<sc_vector_subcore>, window_params = [{transform_indices = #map}, {transform_indices = #map}, {transform_indices = #map}, {transform_indices = #map1}, {transform_indices = #map}]} {
    %mul3A = arith.constant 2 : i32
    %mul3A_0 = arith.muli %arg1, %mul3A : i32
    %add3A = arith.addi %mul3A_0, %arg0 : i32
    %scan3A = arith.constant 0 : i32
    %scan3A_1 = arith.constant 0 : i32
    %scan3A_2 = arith.constant 4 : i32
    %scan3A_3 = arith.addi %scan3A_1, %scan3A_2 : i32
    %scan3A_4 = arith.constant 1 : i32
    scf.for %scan3A_6 = %scan3A_1 to %scan3A_3 step %scan3A_4  : i32 {
      %mul3A_7 = arith.constant 4 : i32
      %mul3A_8 = arith.muli %add3A, %mul3A_7 : i32
      %add3A_9 = arith.addi %mul3A_8, %scan3A_6 : i32
      %jit3A = arith.constant 4 : i32
      %div3A = arith.divsi %add3A_9, %jit3A : i32
      %sign3A = arith.constant 0 : i32
      %sign3A_10 = arith.cmpi sgt, %add3A_9, %sign3A : i32
      %sign3A_11 = arith.extui %sign3A_10 : i1 to i32
      %sign3A_12 = arith.constant 0 : i32
      %sign3A_13 = arith.cmpi slt, %add3A_9, %sign3A_12 : i32
      %sign3A_14 = arith.extui %sign3A_13 : i1 to i32
      %sign3A_15 = arith.subi %sign3A_11, %sign3A_14 : i32
      %sign3A_16 = arith.constant 0 : i32
      %sign3A_17 = arith.cmpi sgt, %jit3A, %sign3A_16 : i32
      %sign3A_18 = arith.extui %sign3A_17 : i1 to i32
      %sign3A_19 = arith.constant 0 : i32
      %sign3A_20 = arith.cmpi slt, %jit3A, %sign3A_19 : i32
      %sign3A_21 = arith.extui %sign3A_20 : i1 to i32
      %sign3A_22 = arith.subi %sign3A_18, %sign3A_21 : i32
      %ne3A = arith.cmpi ne, %sign3A_15, %sign3A_22 : i32
      %rem3A = arith.remsi %add3A_9, %jit3A : i32
      %ne3A_23 = arith.constant 0 : i32
      %ne3A_24 = arith.cmpi ne, %rem3A, %ne3A_23 : i32
      %and3A = arith.andi %ne3A, %ne3A_24 : i1
      %sub3A = arith.constant 1 : i32
      %sub3A_25 = arith.subi %div3A, %sub3A : i32
      %select_n3A = arith.select %and3A, %sub3A_25, %div3A : i32
      %mul3A_26 = arith.constant 2080 : i32
      %mul3A_27 = arith.muli %select_n3A, %mul3A_26 : i32
      %mul3A_28 = arith.constant 2080 : i32
      %mul3A_29 = arith.muli %add3A_9, %mul3A_28 : i32
      "tpu.region"() ({
        %run_scoped3A = tpu.sem_alloc : memref<!tpu.dma_semaphore, #tpu.memory_space<semaphore_mem>>
        %dma_start3A = arith.constant 0 : i32
        %dma_start3A_61 = tpu.memref_slice %arg2[%add3A_9, %dma_start3A] : memref<128x2080xi32, #tpu.memory_space<hbm>> -> memref<1x2080xi32, #tpu.memory_space<hbm>>
        %dma_start3A_62 = tpu.memref_squeeze %dma_start3A_61 : memref<1x2080xi32, #tpu.memory_space<hbm>> -> memref<2080xi32, #tpu.memory_space<hbm>>
        %dma_start3A_63 = arith.constant 0 : i32
        %dma_start3A_64 = tpu.memref_slice %arg2[%add3A_9, %dma_start3A_63] : memref<128x2080xi32, #tpu.memory_space<hbm>> -> memref<1x2080xi32, #tpu.memory_space<hbm>>
        %dma_start3A_65 = tpu.memref_squeeze %dma_start3A_64 : memref<1x2080xi32, #tpu.memory_space<hbm>> -> memref<2080xi32, #tpu.memory_space<hbm>>
        tpu.enqueue_dma source(%dma_start3A_65 : memref<2080xi32, #tpu.memory_space<hbm>>) target(%arg7 : memref<2080xi32, #tpu.memory_space<vmem>>) target_semaphore(%run_scoped3A : memref<!tpu.dma_semaphore, #tpu.memory_space<semaphore_mem>>)
        %dma_wait3A = arith.constant 0 : i32
        %dma_wait3A_66 = tpu.memref_slice %arg2[%add3A_9, %dma_wait3A] : memref<128x2080xi32, #tpu.memory_space<hbm>> -> memref<1x2080xi32, #tpu.memory_space<hbm>>
        %dma_wait3A_67 = tpu.memref_squeeze %dma_wait3A_66 : memref<1x2080xi32, #tpu.memory_space<hbm>> -> memref<2080xi32, #tpu.memory_space<hbm>>
        %dma_wait3A_68 = arith.constant 0 : i32
        %dma_wait3A_69 = tpu.memref_slice %arg2[%add3A_9, %dma_wait3A_68] : memref<128x2080xi32, #tpu.memory_space<hbm>> -> memref<1x2080xi32, #tpu.memory_space<hbm>>
        %dma_wait3A_70 = tpu.memref_squeeze %dma_wait3A_69 : memref<1x2080xi32, #tpu.memory_space<hbm>> -> memref<2080xi32, #tpu.memory_space<hbm>>
        tpu.wait_dma2 semaphore(%run_scoped3A : memref<!tpu.dma_semaphore, #tpu.memory_space<semaphore_mem>>) src(%dma_wait3A_70 : memref<2080xi32, #tpu.memory_space<hbm>>) dst(%arg7 : memref<2080xi32, #tpu.memory_space<vmem>>)
        tpu.yield
      }) : () -> ()
      %scan3A_30 = arith.constant 0 : i32
      %scan3A_31 = arith.constant 0 : i32
      %scan3A_32 = arith.constant 9 : i32
      %scan3A_33 = arith.addi %scan3A_31, %scan3A_32 : i32
      %scan3A_34 = arith.constant 1 : i32
      scf.for %scan3A_61 = %scan3A_31 to %scan3A_33 step %scan3A_34  : i32 {
        %broadcast_in_dim3A = arith.constant 0 : i32
        %broadcast_in_dim3A_62 = vector.broadcast %broadcast_in_dim3A : i32 to vector<16xi32>
        %mul3A_63 = arith.constant 16 : i32
        %mul3A_64 = arith.muli %scan3A_61, %mul3A_63 : i32
        %swap3A = arith.index_cast %mul3A_64 : i32 to index
        %swap3A_65 = tpu.vector_load %arg9[%swap3A] {strides = array<i32>} : memref<144xi32, #tpu.memory_space<vmem>>, vector<16xi32>,
        tpu.vector_store %arg9[%swap3A], %broadcast_in_dim3A_62 {strides = array<i32>} : memref<144xi32, #tpu.memory_space<vmem>>, vector<16xi32>,
      }
      %scan3A_35 = arith.constant 9 : i32
      %scan3A_36 = arith.constant 0 : i32
      %scan3A_37 = arith.constant 0 : i32
      %scan3A_38 = arith.constant 130 : i32
      %scan3A_39 = arith.addi %scan3A_37, %scan3A_38 : i32
      %scan3A_40 = arith.constant 1 : i32
      scf.for %scan3A_61 = %scan3A_37 to %scan3A_39 step %scan3A_40  : i32 {
        %mul3A_62 = arith.constant 16 : i32
        %mul3A_63 = arith.muli %scan3A_61, %mul3A_62 : i32
        %get3A = arith.index_cast %mul3A_63 : i32 to index
        %get3A_64 = tpu.vector_load %arg7[%get3A] {strides = array<i32>} : memref<2080xi32, #tpu.memory_space<vmem>>, vector<16xi32>,
        %broadcast_in_dim3A = arith.constant true
        %broadcast_in_dim3A_65 = vector.broadcast %broadcast_in_dim3A : i1 to vector<16xi1>
        %unique3A, %unique3A_66 = tpu.scan_count mask(%broadcast_in_dim3A_65 : vector<16xi1>) value(%get3A_64 : vector<16xi32>) : vector<16xi1>, vector<16xi32>
        tpu.vector_store_idx %arg9[%get3A_64], %unique3A_66 masked %unique3A {add = true} : memref<144xi32, #tpu.memory_space<vmem>>[vector<16xi32>], vector<16xi32>, vector<16xi1>
      }
      %scan3A_41 = arith.constant 130 : i32
      %scan3A_42 = arith.constant 0 : i32
      %scan3A_43 = arith.constant 0 : i32
      %scan3A_44 = arith.constant 9 : i32
      %scan3A_45 = arith.addi %scan3A_43, %scan3A_44 : i32
      %scan3A_46 = arith.constant 1 : i32
      %scan3A_47 = scf.for %scan3A_61 = %scan3A_43 to %scan3A_45 step %scan3A_46 iter_args(%scan3A_62 = %scan3A_42) -> (i32)  : i32 {
        %mul3A_63 = arith.constant 16 : i32
        %mul3A_64 = arith.muli %scan3A_61, %mul3A_63 : i32
        %get3A = arith.index_cast %mul3A_64 : i32 to index
        %get3A_65 = tpu.vector_load %arg9[%get3A] {strides = array<i32>} : memref<144xi32, #tpu.memory_space<vmem>>, vector<16xi32>,
        %broadcast_in_dim3A = arith.constant true
        %broadcast_in_dim3A_66 = vector.broadcast %broadcast_in_dim3A : i1 to vector<16xi1>
        %masked_cumsum3A = tpu.scan <sum>, %get3A_65 masked %broadcast_in_dim3A_66 : vector<16xi32>, vector<16xi1> -> vector<16xi32>
        %sub3A_67 = arith.subi %masked_cumsum3A, %get3A_65 : vector<16xi32>
        %add3A_68 = vector.broadcast %scan3A_62 : i32 to vector<16xi32>
        %add3A_69 = arith.addi %sub3A_67, %add3A_68 : vector<16xi32>
        %mul3A_70 = arith.constant 16 : i32
        %mul3A_71 = arith.muli %scan3A_61, %mul3A_70 : i32
        %swap3A = arith.index_cast %mul3A_71 : i32 to index
        %swap3A_72 = tpu.vector_load %arg9[%swap3A] {strides = array<i32>} : memref<144xi32, #tpu.memory_space<vmem>>, vector<16xi32>,
        tpu.vector_store %arg9[%swap3A], %add3A_69 {strides = array<i32>} : memref<144xi32, #tpu.memory_space<vmem>>, vector<16xi32>,
        %reduce_sum3A = arith.constant true
        %reduce_sum3A_73 = vector.broadcast %reduce_sum3A : i1 to vector<16xi1>
        %reduce_sum3A_74 = tpu.scan <sum>, %get3A_65 masked %reduce_sum3A_73 : vector<16xi32>, vector<16xi1> -> vector<16xi32>
        %reduce_sum3A_75 = vector.extract %reduce_sum3A_74[15] : i32 from vector<16xi32>
        %add3A_76 = arith.addi %scan3A_62, %reduce_sum3A_75 : i32
        scf.yield %add3A_76 : i32
      }
      %scan3A_48 = arith.constant 9 : i32
      %scan3A_49 = arith.constant 0 : i32
      %scan3A_50 = arith.constant 0 : i32
      %scan3A_51 = arith.constant 130 : i32
      %scan3A_52 = arith.addi %scan3A_50, %scan3A_51 : i32
      %scan3A_53 = arith.constant 1 : i32
      scf.for %scan3A_61 = %scan3A_50 to %scan3A_52 step %scan3A_53  : i32 {
        %mul3A_62 = arith.constant 16 : i32
        %mul3A_63 = arith.muli %scan3A_61, %mul3A_62 : i32
        %get3A = arith.index_cast %mul3A_63 : i32 to index
        %get3A_64 = tpu.vector_load %arg7[%get3A] {strides = array<i32>} : memref<2080xi32, #tpu.memory_space<vmem>>, vector<16xi32>,
        %broadcast_in_dim3A = arith.constant true
        %broadcast_in_dim3A_65 = vector.broadcast %broadcast_in_dim3A : i1 to vector<16xi1>
        %unique3A, %unique3A_66 = tpu.scan_count mask(%broadcast_in_dim3A_65 : vector<16xi1>) value(%get3A_64 : vector<16xi32>) : vector<16xi1>, vector<16xi32>
        %gather3A = tpu.vector_load_idx %arg9[%get3A_64] : memref<144xi32, #tpu.memory_space<vmem>>[vector<16xi32>], vector<16xi32>,
        %add3A_67 = arith.addi %gather3A, %unique3A_66 : vector<16xi32>
        %sub3A_68 = arith.constant 1 : i32
        %sub3A_69 = vector.broadcast %sub3A_68 : i32 to vector<16xi32>
        %sub3A_70 = arith.subi %add3A_67, %sub3A_69 : vector<16xi32>
        %iota3A = tpu.iota {dimensions = array<i32: 0>} : vector<16xi32>
        %mul3A_71 = arith.constant 16 : i32
        %mul3A_72 = arith.muli %scan3A_61, %mul3A_71 : i32
        %add3A_73 = vector.broadcast %mul3A_72 : i32 to vector<16xi32>
        %add3A_74 = arith.addi %iota3A, %add3A_73 : vector<16xi32>
        tpu.vector_store_idx %arg8[%sub3A_70], %add3A_74 : memref<2080xi32, #tpu.memory_space<vmem>>[vector<16xi32>], vector<16xi32>,
        %jit3A_75 = arith.constant 80 : i32
        %div3A_76 = vector.broadcast %jit3A_75 : i32 to vector<16xi32>
        %div3A_77 = arith.divsi %sub3A_70, %div3A_76 : vector<16xi32>
        %sign3A_78 = arith.constant 0 : i32
        %sign3A_79 = vector.broadcast %sign3A_78 : i32 to vector<16xi32>
        %sign3A_80 = arith.cmpi sgt, %sub3A_70, %sign3A_79 : vector<16xi32>
        %sign3A_81 = arith.extui %sign3A_80 : vector<16xi1> to vector<16xi32>
        %sign3A_82 = arith.constant 0 : i32
        %sign3A_83 = vector.broadcast %sign3A_82 : i32 to vector<16xi32>
        %sign3A_84 = arith.cmpi slt, %sub3A_70, %sign3A_83 : vector<16xi32>
        %sign3A_85 = arith.extui %sign3A_84 : vector<16xi1> to vector<16xi32>
        %sign3A_86 = arith.subi %sign3A_81, %sign3A_85 : vector<16xi32>
        %sign3A_87 = arith.constant 0 : i32
        %sign3A_88 = arith.cmpi sgt, %jit3A_75, %sign3A_87 : i32
        %sign3A_89 = arith.extui %sign3A_88 : i1 to i32
        %sign3A_90 = arith.constant 0 : i32
        %sign3A_91 = arith.cmpi slt, %jit3A_75, %sign3A_90 : i32
        %sign3A_92 = arith.extui %sign3A_91 : i1 to i32
        %sign3A_93 = arith.subi %sign3A_89, %sign3A_92 : i32
        %ne3A_94 = vector.broadcast %sign3A_93 : i32 to vector<16xi32>
        %ne3A_95 = arith.cmpi ne, %sign3A_86, %ne3A_94 : vector<16xi32>
        %rem3A_96 = vector.broadcast %jit3A_75 : i32 to vector<16xi32>
        %rem3A_97 = arith.remsi %sub3A_70, %rem3A_96 : vector<16xi32>
        %ne3A_98 = arith.constant 0 : i32
        %ne3A_99 = vector.broadcast %ne3A_98 : i32 to vector<16xi32>
        %ne3A_100 = arith.cmpi ne, %rem3A_97, %ne3A_99 : vector<16xi32>
        %and3A_101 = arith.andi %ne3A_95, %ne3A_100 : vector<16xi1>
        %sub3A_102 = arith.constant 1 : i32
        %sub3A_103 = vector.broadcast %sub3A_102 : i32 to vector<16xi32>
        %sub3A_104 = arith.subi %div3A_77, %sub3A_103 : vector<16xi32>
        %select_n3A_105 = arith.select %and3A_101, %sub3A_104, %div3A_77 : vector<16xi1>, vector<16xi32>
        %jit3A_106 = arith.constant 80 : i32
        %eq3A = arith.constant 0 : i32
        %eq3A_107 = arith.cmpi eq, %jit3A_106, %eq3A : i32
        %jit3A_108 = arith.constant 1 : i32
        %select_n3A_109 = arith.select %eq3A_107, %jit3A_108, %jit3A_106 : i32
        %rem3A_110 = vector.broadcast %select_n3A_109 : i32 to vector<16xi32>
        %rem3A_111 = arith.remsi %sub3A_70, %rem3A_110 : vector<16xi32>
        %ne3A_112 = arith.constant 0 : i32
        %ne3A_113 = vector.broadcast %ne3A_112 : i32 to vector<16xi32>
        %ne3A_114 = arith.cmpi ne, %rem3A_111, %ne3A_113 : vector<16xi32>
        %lt3A = arith.constant 0 : i32
        %lt3A_115 = vector.broadcast %lt3A : i32 to vector<16xi32>
        %lt3A_116 = arith.cmpi slt, %rem3A_111, %lt3A_115 : vector<16xi32>
        %lt3A_117 = arith.constant 0 : i32
        %lt3A_118 = arith.cmpi slt, %select_n3A_109, %lt3A_117 : i32
        %ne3A_119 = vector.broadcast %lt3A_118 : i1 to vector<16xi1>
        %ne3A_120 = vector.broadcast %ne3A_119 : vector<16xi1> to vector<16xi1>
        %ne3A_121 = arith.xori %lt3A_116, %ne3A_120 : vector<16xi1>
        %and3A_122 = arith.andi %ne3A_121, %ne3A_114 : vector<16xi1>
        %add3A_123 = vector.broadcast %select_n3A_109 : i32 to vector<16xi32>
        %add3A_124 = arith.addi %rem3A_111, %add3A_123 : vector<16xi32>
        %select_n3A_125 = arith.select %and3A_122, %add3A_124, %rem3A_111 : vector<16xi1>, vector<16xi32>
        %add3A_126 = vector.broadcast %mul3A_27 : i32 to vector<16xi32>
        %add3A_127 = arith.addi %add3A_74, %add3A_126 : vector<16xi32>
        tpu.vector_store_idx %arg10[%select_n3A_105, %select_n3A_125], %add3A_127 : memref<26x80xi32, #tpu.memory_space<vmem>>[vector<16xi32>, vector<16xi32>], vector<16xi32>,
        %jit3A_128 = arith.constant 80 : i32
        %div3A_129 = vector.broadcast %jit3A_128 : i32 to vector<16xi32>
        %div3A_130 = arith.divsi %add3A_74, %div3A_129 : vector<16xi32>
        %sign3A_131 = arith.constant 0 : i32
        %sign3A_132 = vector.broadcast %sign3A_131 : i32 to vector<16xi32>
        %sign3A_133 = arith.cmpi sgt, %add3A_74, %sign3A_132 : vector<16xi32>
        %sign3A_134 = arith.extui %sign3A_133 : vector<16xi1> to vector<16xi32>
        %sign3A_135 = arith.constant 0 : i32
        %sign3A_136 = vector.broadcast %sign3A_135 : i32 to vector<16xi32>
        %sign3A_137 = arith.cmpi slt, %add3A_74, %sign3A_136 : vector<16xi32>
        %sign3A_138 = arith.extui %sign3A_137 : vector<16xi1> to vector<16xi32>
        %sign3A_139 = arith.subi %sign3A_134, %sign3A_138 : vector<16xi32>
        %sign3A_140 = arith.constant 0 : i32
        %sign3A_141 = arith.cmpi sgt, %jit3A_128, %sign3A_140 : i32
        %sign3A_142 = arith.extui %sign3A_141 : i1 to i32
        %sign3A_143 = arith.constant 0 : i32
        %sign3A_144 = arith.cmpi slt, %jit3A_128, %sign3A_143 : i32
        %sign3A_145 = arith.extui %sign3A_144 : i1 to i32
        %sign3A_146 = arith.subi %sign3A_142, %sign3A_145 : i32
        %ne3A_147 = vector.broadcast %sign3A_146 : i32 to vector<16xi32>
        %ne3A_148 = arith.cmpi ne, %sign3A_139, %ne3A_147 : vector<16xi32>
        %rem3A_149 = vector.broadcast %jit3A_128 : i32 to vector<16xi32>
        %rem3A_150 = arith.remsi %add3A_74, %rem3A_149 : vector<16xi32>
        %ne3A_151 = arith.constant 0 : i32
        %ne3A_152 = vector.broadcast %ne3A_151 : i32 to vector<16xi32>
        %ne3A_153 = arith.cmpi ne, %rem3A_150, %ne3A_152 : vector<16xi32>
        %and3A_154 = arith.andi %ne3A_148, %ne3A_153 : vector<16xi1>
        %sub3A_155 = arith.constant 1 : i32
        %sub3A_156 = vector.broadcast %sub3A_155 : i32 to vector<16xi32>
        %sub3A_157 = arith.subi %div3A_130, %sub3A_156 : vector<16xi32>
        %select_n3A_158 = arith.select %and3A_154, %sub3A_157, %div3A_130 : vector<16xi1>, vector<16xi32>
        %jit3A_159 = arith.constant 80 : i32
        %eq3A_160 = arith.constant 0 : i32
        %eq3A_161 = arith.cmpi eq, %jit3A_159, %eq3A_160 : i32
        %jit3A_162 = arith.constant 1 : i32
        %select_n3A_163 = arith.select %eq3A_161, %jit3A_162, %jit3A_159 : i32
        %rem3A_164 = vector.broadcast %select_n3A_163 : i32 to vector<16xi32>
        %rem3A_165 = arith.remsi %add3A_74, %rem3A_164 : vector<16xi32>
        %ne3A_166 = arith.constant 0 : i32
        %ne3A_167 = vector.broadcast %ne3A_166 : i32 to vector<16xi32>
        %ne3A_168 = arith.cmpi ne, %rem3A_165, %ne3A_167 : vector<16xi32>
        %lt3A_169 = arith.constant 0 : i32
        %lt3A_170 = vector.broadcast %lt3A_169 : i32 to vector<16xi32>
        %lt3A_171 = arith.cmpi slt, %rem3A_165, %lt3A_170 : vector<16xi32>
        %lt3A_172 = arith.constant 0 : i32
        %lt3A_173 = arith.cmpi slt, %select_n3A_163, %lt3A_172 : i32
        %ne3A_174 = vector.broadcast %lt3A_173 : i1 to vector<16xi1>
        %ne3A_175 = vector.broadcast %ne3A_174 : vector<16xi1> to vector<16xi1>
        %ne3A_176 = arith.xori %lt3A_171, %ne3A_175 : vector<16xi1>
        %and3A_177 = arith.andi %ne3A_176, %ne3A_168 : vector<16xi1>
        %add3A_178 = vector.broadcast %select_n3A_163 : i32 to vector<16xi32>
        %add3A_179 = arith.addi %rem3A_165, %add3A_178 : vector<16xi32>
        %select_n3A_180 = arith.select %and3A_177, %add3A_179, %rem3A_165 : vector<16xi1>, vector<16xi32>
        %add3A_181 = vector.broadcast %mul3A_29 : i32 to vector<16xi32>
        %add3A_182 = arith.addi %sub3A_70, %add3A_181 : vector<16xi32>
        tpu.vector_store_idx %arg11[%select_n3A_158, %select_n3A_180], %add3A_182 : memref<26x80xi32, #tpu.memory_space<vmem>>[vector<16xi32>, vector<16xi32>], vector<16xi32>,
        tpu.vector_store_idx %arg9[%get3A_64], %unique3A_66 masked %unique3A {add = true} : memref<144xi32, #tpu.memory_space<vmem>>[vector<16xi32>], vector<16xi32>, vector<16xi1>
      }
      %scan3A_54 = arith.constant 130 : i32
      "tpu.region"() ({
        %run_scoped3A = tpu.sem_alloc : memref<!tpu.dma_semaphore, #tpu.memory_space<semaphore_mem>>
        %dma_start3A = arith.constant 0 : i32
        %dma_start3A_61 = tpu.memref_slice %arg4[%add3A_9, %dma_start3A] : memref<128x2080xi32, #tpu.memory_space<hbm>> -> memref<1x2080xi32, #tpu.memory_space<hbm>>
        %dma_start3A_62 = tpu.memref_squeeze %dma_start3A_61 : memref<1x2080xi32, #tpu.memory_space<hbm>> -> memref<2080xi32, #tpu.memory_space<hbm>>
        %dma_start3A_63 = arith.constant 0 : i32
        %dma_start3A_64 = tpu.memref_slice %arg4[%add3A_9, %dma_start3A_63] : memref<128x2080xi32, #tpu.memory_space<hbm>> -> memref<1x2080xi32, #tpu.memory_space<hbm>>
        %dma_start3A_65 = tpu.memref_squeeze %dma_start3A_64 : memref<1x2080xi32, #tpu.memory_space<hbm>> -> memref<2080xi32, #tpu.memory_space<hbm>>
        tpu.enqueue_dma source(%arg8 : memref<2080xi32, #tpu.memory_space<vmem>>) target(%dma_start3A_65 : memref<2080xi32, #tpu.memory_space<hbm>>) target_semaphore(%run_scoped3A : memref<!tpu.dma_semaphore, #tpu.memory_space<semaphore_mem>>)
        %dma_wait3A = arith.constant 0 : i32
        %dma_wait3A_66 = tpu.memref_slice %arg4[%add3A_9, %dma_wait3A] : memref<128x2080xi32, #tpu.memory_space<hbm>> -> memref<1x2080xi32, #tpu.memory_space<hbm>>
        %dma_wait3A_67 = tpu.memref_squeeze %dma_wait3A_66 : memref<1x2080xi32, #tpu.memory_space<hbm>> -> memref<2080xi32, #tpu.memory_space<hbm>>
        %dma_wait3A_68 = arith.constant 0 : i32
        %dma_wait3A_69 = tpu.memref_slice %arg4[%add3A_9, %dma_wait3A_68] : memref<128x2080xi32, #tpu.memory_space<hbm>> -> memref<1x2080xi32, #tpu.memory_space<hbm>>
        %dma_wait3A_70 = tpu.memref_squeeze %dma_wait3A_69 : memref<1x2080xi32, #tpu.memory_space<hbm>> -> memref<2080xi32, #tpu.memory_space<hbm>>
        tpu.wait_dma2 semaphore(%run_scoped3A : memref<!tpu.dma_semaphore, #tpu.memory_space<semaphore_mem>>) src(%arg8 : memref<2080xi32, #tpu.memory_space<vmem>>) dst(%dma_wait3A_70 : memref<2080xi32, #tpu.memory_space<hbm>>)
        tpu.yield
      }) : () -> ()
      "tpu.region"() ({
        %run_scoped3A = tpu.sem_alloc : memref<!tpu.dma_semaphore, #tpu.memory_space<semaphore_mem>>
        %dma_start3A = arith.constant 0 : i32
        %dma_start3A_61 = arith.constant 0 : i32
        %dma_start3A_62 = tpu.memref_slice %arg5[%add3A_9, %dma_start3A, %dma_start3A_61] : memref<128x26x80xi32, #tpu.memory_space<hbm>> -> memref<1x26x80xi32, #tpu.memory_space<hbm>>
        %dma_start3A_63 = tpu.memref_squeeze %dma_start3A_62 : memref<1x26x80xi32, #tpu.memory_space<hbm>> -> memref<26x80xi32, #tpu.memory_space<hbm>>
        %dma_start3A_64 = arith.constant 0 : i32
        %dma_start3A_65 = arith.constant 0 : i32
        %dma_start3A_66 = tpu.memref_slice %arg5[%add3A_9, %dma_start3A_64, %dma_start3A_65] : memref<128x26x80xi32, #tpu.memory_space<hbm>> -> memref<1x26x80xi32, #tpu.memory_space<hbm>>
        %dma_start3A_67 = tpu.memref_squeeze %dma_start3A_66 : memref<1x26x80xi32, #tpu.memory_space<hbm>> -> memref<26x80xi32, #tpu.memory_space<hbm>>
        tpu.enqueue_dma source(%arg11 : memref<26x80xi32, #tpu.memory_space<vmem>>) target(%dma_start3A_67 : memref<26x80xi32, #tpu.memory_space<hbm>>) target_semaphore(%run_scoped3A : memref<!tpu.dma_semaphore, #tpu.memory_space<semaphore_mem>>)
        %dma_wait3A = arith.constant 0 : i32
        %dma_wait3A_68 = arith.constant 0 : i32
        %dma_wait3A_69 = tpu.memref_slice %arg5[%add3A_9, %dma_wait3A, %dma_wait3A_68] : memref<128x26x80xi32, #tpu.memory_space<hbm>> -> memref<1x26x80xi32, #tpu.memory_space<hbm>>
        %dma_wait3A_70 = tpu.memref_squeeze %dma_wait3A_69 : memref<1x26x80xi32, #tpu.memory_space<hbm>> -> memref<26x80xi32, #tpu.memory_space<hbm>>
        %dma_wait3A_71 = arith.constant 0 : i32
        %dma_wait3A_72 = arith.constant 0 : i32
        %dma_wait3A_73 = tpu.memref_slice %arg5[%add3A_9, %dma_wait3A_71, %dma_wait3A_72] : memref<128x26x80xi32, #tpu.memory_space<hbm>> -> memref<1x26x80xi32, #tpu.memory_space<hbm>>
        %dma_wait3A_74 = tpu.memref_squeeze %dma_wait3A_73 : memref<1x26x80xi32, #tpu.memory_space<hbm>> -> memref<26x80xi32, #tpu.memory_space<hbm>>
        tpu.wait_dma2 semaphore(%run_scoped3A : memref<!tpu.dma_semaphore, #tpu.memory_space<semaphore_mem>>) src(%arg11 : memref<26x80xi32, #tpu.memory_space<vmem>>) dst(%dma_wait3A_74 : memref<26x80xi32, #tpu.memory_space<hbm>>)
        tpu.yield
      }) : () -> ()
      %scan3A_55 = arith.constant 0 : i32
      %scan3A_56 = arith.constant 0 : i32
      %scan3A_57 = arith.constant 26 : i32
      %scan3A_58 = arith.addi %scan3A_56, %scan3A_57 : i32
      %scan3A_59 = arith.constant 1 : i32
      scf.for %scan3A_61 = %scan3A_56 to %scan3A_58 step %scan3A_59  : i32 {
        %dma_start3A = arith.constant 0 : i32
        %dma_start3A_62 = tpu.memref_slice %arg10[%scan3A_61, %dma_start3A] : memref<26x80xi32, #tpu.memory_space<vmem>> -> memref<1x80xi32, #tpu.memory_space<vmem>>
        %dma_start3A_63 = tpu.memref_squeeze %dma_start3A_62 : memref<1x80xi32, #tpu.memory_space<vmem>> -> memref<80xi32, #tpu.memory_space<vmem>>
        %dma_start3A_64 = arith.constant 0 : i32
        %dma_start3A_65 = arith.constant 0 : i32
        %dma_start3A_66 = tpu.memref_slice %arg3[%dma_start3A_64, %dma_start3A_65] : memref<66560x128xf32, #tpu.memory_space<hbm>> -> memref<66560x128xf32, #tpu.memory_space<hbm>>
        tpu.enqueue_indirect_dma source(%dma_start3A_66 : memref<66560x128xf32, #tpu.memory_space<hbm>>) target(%arg12 : memref<80x128xf32, #tpu.memory_space<vmem>>) offsets(%dma_start3A_63 : memref<80xi32, #tpu.memory_space<vmem>>) semaphore(%arg13 : memref<!tpu.dma_semaphore, #tpu.memory_space<semaphore_mem>>)
        %dma_wait3A = arith.constant 0 : i32
        %dma_wait3A_67 = tpu.memref_slice %arg10[%scan3A_61, %dma_wait3A] : memref<26x80xi32, #tpu.memory_space<vmem>> -> memref<1x80xi32, #tpu.memory_space<vmem>>
        %dma_wait3A_68 = tpu.memref_squeeze %dma_wait3A_67 : memref<1x80xi32, #tpu.memory_space<vmem>> -> memref<80xi32, #tpu.memory_space<vmem>>
        %dma_wait3A_69 = arith.constant 0 : i32
        %dma_wait3A_70 = arith.constant 0 : i32
        %dma_wait3A_71 = tpu.memref_slice %arg3[%dma_wait3A_69, %dma_wait3A_70] : memref<66560x128xf32, #tpu.memory_space<hbm>> -> memref<66560x128xf32, #tpu.memory_space<hbm>>
        tpu.wait_indirect_dma semaphore(%arg13 : memref<!tpu.dma_semaphore, #tpu.memory_space<semaphore_mem>>) src(%dma_wait3A_71 : memref<66560x128xf32, #tpu.memory_space<hbm>>) dst(%arg12 : memref<80x128xf32, #tpu.memory_space<vmem>>)
        %mul3A_72 = arith.constant 80 : i32
        %mul3A_73 = arith.muli %scan3A_61, %mul3A_72 : i32
        %add3A_74 = arith.addi %mul3A_29, %mul3A_73 : i32
        "tpu.region"() ({
          %run_scoped3A = tpu.sem_alloc : memref<!tpu.dma_semaphore, #tpu.memory_space<semaphore_mem>>
          %dma_start3A_75 = arith.constant 0 : i32
          %dma_start3A_76 = tpu.memref_slice %arg6[%add3A_74, %dma_start3A_75] : memref<266240x128xf32, #tpu.memory_space<hbm>> -> memref<80x128xf32, #tpu.memory_space<hbm>>
          %dma_start3A_77 = arith.constant 0 : i32
          %dma_start3A_78 = tpu.memref_slice %arg6[%add3A_74, %dma_start3A_77] : memref<266240x128xf32, #tpu.memory_space<hbm>> -> memref<80x128xf32, #tpu.memory_space<hbm>>
          tpu.enqueue_dma source(%arg12 : memref<80x128xf32, #tpu.memory_space<vmem>>) target(%dma_start3A_78 : memref<80x128xf32, #tpu.memory_space<hbm>>) target_semaphore(%run_scoped3A : memref<!tpu.dma_semaphore, #tpu.memory_space<semaphore_mem>>)
          %dma_wait3A_79 = arith.constant 0 : i32
          %dma_wait3A_80 = tpu.memref_slice %arg6[%add3A_74, %dma_wait3A_79] : memref<266240x128xf32, #tpu.memory_space<hbm>> -> memref<80x128xf32, #tpu.memory_space<hbm>>
          %dma_wait3A_81 = arith.constant 0 : i32
          %dma_wait3A_82 = tpu.memref_slice %arg6[%add3A_74, %dma_wait3A_81] : memref<266240x128xf32, #tpu.memory_space<hbm>> -> memref<80x128xf32, #tpu.memory_space<hbm>>
          tpu.wait_dma2 semaphore(%run_scoped3A : memref<!tpu.dma_semaphore, #tpu.memory_space<semaphore_mem>>) src(%arg12 : memref<80x128xf32, #tpu.memory_space<vmem>>) dst(%dma_wait3A_82 : memref<80x128xf32, #tpu.memory_space<hbm>>)
          tpu.yield
        }) : () -> ()
      }
      %scan3A_60 = arith.constant 26 : i32
    }
    %scan3A_5 = arith.constant 4 : i32
    return
  }
}

module attributes {stable_mosaic.version = 14 : i64} {
  func.func @_qkv_kernel(%arg0: i32, %arg1: i32, %arg2: memref<1x2080x1024xf32, #tpu.memory_space<vmem>>, %arg3: memref<64x1024xf32, #tpu.memory_space<vmem>>, %arg4: memref<64x1024xf32, #tpu.memory_space<vmem>>, %arg5: memref<1x2080x128xf32, #tpu.memory_space<vmem>>) attributes {dimension_semantics = [#tpu.dimension_semantics<arbitrary>, #tpu.dimension_semantics<arbitrary>], iteration_bounds = array<i64: 2, 16>, scalar_prefetch = 0 : i64, scratch_operands = 0 : i64, tpu.core_type = #tpu.core_type<tc>, window_params = [{transform_indices = @transform_0, window_bounds = array<i64: 1, 2080, 1024>}, {transform_indices = @transform_1, window_bounds = array<i64: 64, 1024>}, {transform_indices = @transform_2, window_bounds = array<i64: 64, 1024>}, {transform_indices = @transform_3, window_bounds = array<i64: 1, 2080, 128>}]} {
    %get3A = arith.constant 0 : index
    %get3A_0 = arith.constant 0 : index
    %get3A_1 = arith.constant 0 : index
    %get3A_2 = vector.load %arg2[%get3A, %get3A_0, %get3A_1] : memref<1x2080x1024xf32, #tpu.memory_space<vmem>>, vector<1x2080x1024xf32>
    %get3A_3 = vector.shape_cast %get3A_2 : vector<1x2080x1024xf32> to vector<2080x1024xf32>
    %get3A_4 = arith.constant 0 : index
    %get3A_5 = arith.constant 0 : index
    %get3A_6 = vector.load %arg3[%get3A_4, %get3A_5] : memref<64x1024xf32, #tpu.memory_space<vmem>>, vector<64x1024xf32>
    %dot_general3A = arith.constant dense<0.000000e+00> : vector<2080x64xf32>
    %dot_general3A_7 = tpu.matmul %get3A_3, %get3A_6, %dot_general3A {dimension_numbers = #tpu.dot_dimension_numbers<[1], [1], [0], [0], [0, 0, 1, 0], [], []>, transpose_lhs_hint = false} : vector<2080x1024xf32>, vector<64x1024xf32>, vector<2080x64xf32> -> vector<2080x64xf32>
    %get3A_8 = arith.constant 0 : index
    %get3A_9 = arith.constant 0 : index
    %get3A_10 = vector.load %arg4[%get3A_8, %get3A_9] : memref<64x1024xf32, #tpu.memory_space<vmem>>, vector<64x1024xf32>
    %dot_general3A_11 = arith.constant dense<0.000000e+00> : vector<2080x64xf32>
    %dot_general3A_12 = tpu.matmul %get3A_3, %get3A_10, %dot_general3A_11 {dimension_numbers = #tpu.dot_dimension_numbers<[1], [1], [0], [0], [0, 0, 1, 0], [], []>, transpose_lhs_hint = false} : vector<2080x1024xf32>, vector<64x1024xf32>, vector<2080x64xf32> -> vector<2080x64xf32>
    %swap3A = arith.constant 0 : index
    %swap3A_13 = arith.constant 0 : index
    %swap3A_14 = arith.constant 0 : index
    %swap3A_15 = vector.load %arg5[%swap3A, %swap3A_13, %swap3A_14] : memref<1x2080x128xf32, #tpu.memory_space<vmem>>, vector<1x2080x64xf32>
    %swap3A_16 = vector.shape_cast %swap3A_15 : vector<1x2080x64xf32> to vector<2080x64xf32>
    %swap3A_17 = vector.shape_cast %dot_general3A_7 : vector<2080x64xf32> to vector<1x2080x64xf32>
    tpu.vector_store %arg5[%swap3A, %swap3A_13, %swap3A_14], %swap3A_17 {strides = array<i32>} : memref<1x2080x128xf32, #tpu.memory_space<vmem>>, vector<1x2080x64xf32>,
    %swap3A_18 = arith.constant 0 : index
    %swap3A_19 = arith.constant 0 : index
    %swap3A_20 = arith.constant 64 : index
    %swap3A_21 = vector.load %arg5[%swap3A_18, %swap3A_19, %swap3A_20] : memref<1x2080x128xf32, #tpu.memory_space<vmem>>, vector<1x2080x64xf32>
    %swap3A_22 = vector.shape_cast %swap3A_21 : vector<1x2080x64xf32> to vector<2080x64xf32>
    %swap3A_23 = vector.shape_cast %dot_general3A_12 : vector<2080x64xf32> to vector<1x2080x64xf32>
    tpu.vector_store %arg5[%swap3A_18, %swap3A_19, %swap3A_20], %swap3A_23 {strides = array<i32>} : memref<1x2080x128xf32, #tpu.memory_space<vmem>>, vector<1x2080x64xf32>,
    return
  }
  func.func @transform_0(%arg0: i32, %arg1: i32) -> (i32, i32, i32) {
    %c0_i32 = arith.constant 0 : i32
    %c0_i32_0 = arith.constant 0 : i32
    %c0_i32_1 = arith.constant 0 : i32
    return %arg0, %c0_i32, %c0_i32_0 : i32, i32, i32
  }
  func.func @transform_1(%arg0: i32, %arg1: i32) -> (i32, i32) {
    %c0_i32 = arith.constant 0 : i32
    %c0_i32_0 = arith.constant 0 : i32
    return %arg1, %c0_i32 : i32, i32
  }
  func.func @transform_2(%arg0: i32, %arg1: i32) -> (i32, i32) {
    %c0_i32 = arith.constant 0 : i32
    %c0_i32_0 = arith.constant 0 : i32
    return %arg1, %c0_i32 : i32, i32
  }
  func.func @transform_3(%arg0: i32, %arg1: i32) -> (i32, i32, i32) {
    %mul3A = arith.constant 16 : i32
    %mul3A_0 = arith.muli %arg0, %mul3A : i32
    %add3A = arith.addi %mul3A_0, %arg1 : i32
    %c0_i32 = arith.constant 0 : i32
    %c0_i32_1 = arith.constant 0 : i32
    %c0_i32_2 = arith.constant 0 : i32
    return %add3A, %c0_i32, %c0_i32_1 : i32, i32, i32
  }
}

module attributes {stable_mosaic.version = 14 : i64} {
  func.func @_bucket_kernel(%arg0: i32, %arg1: memref<1x2080x128xf32, #tpu.memory_space<vmem>>, %arg2: memref<64x260xf32, #tpu.memory_space<vmem>>, %arg3: memref<1x4x2080xi32, #tpu.memory_space<vmem>>) attributes {dimension_semantics = [#tpu.dimension_semantics<arbitrary>], iteration_bounds = array<i64: 32>, scalar_prefetch = 0 : i64, scratch_operands = 0 : i64, tpu.core_type = #tpu.core_type<tc>, window_params = [{transform_indices = @transform_0, window_bounds = array<i64: 1, 2080, 128>}, {pipeline_mode = #tpu.pipeline_mode<synchronous>, transform_indices = @transform_1, window_bounds = array<i64: 64, 260>}, {transform_indices = @transform_2, window_bounds = array<i64: 1, 4, 2080>}]} {
    %get3A = arith.constant 0 : index
    %get3A_0 = arith.constant 0 : index
    %get3A_1 = arith.constant 0 : index
    %get3A_2 = vector.load %arg1[%get3A, %get3A_0, %get3A_1] : memref<1x2080x128xf32, #tpu.memory_space<vmem>>, vector<1x2080x128xf32>
    %get3A_3 = vector.shape_cast %get3A_2 : vector<1x2080x128xf32> to vector<2080x128xf32>
    %get3A_4 = arith.constant 0 : index
    %get3A_5 = arith.constant 0 : index
    %get3A_6 = vector.load %arg2[%get3A_4, %get3A_5] : memref<64x260xf32, #tpu.memory_space<vmem>>, vector<64x260xf32>
    %slice3A = vector.extract_strided_slice %get3A_3 {offsets = [0, 0], sizes = [2080, 64], strides = [1, 1]} : vector<2080x128xf32> to vector<2080x64xf32>
    %dot_general3A = arith.constant dense<0.000000e+00> : vector<260x2080xf32>
    %dot_general3A_7 = tpu.matmul %get3A_6, %slice3A, %dot_general3A {dimension_numbers = #tpu.dot_dimension_numbers<[0], [1], [1], [0], [0, 1, 1, 0], [], []>, transpose_lhs_hint = false} : vector<64x260xf32>, vector<2080x64xf32>, vector<260x2080xf32> -> vector<260x2080xf32>
    %iota3A = tpu.iota {dimensions = array<i32: 0>} : vector<65x2080xi32>
    %slice3A_8 = vector.extract_strided_slice %dot_general3A_7 {offsets = [0, 0], sizes = [65, 2080], strides = [1, 1]} : vector<260x2080xf32> to vector<65x2080xf32>
    %reduce_max3A = arith.constant dense<0xFF800000> : vector<2080xf32>
    %reduce_max3A_9 = vector.multi_reduction <maximumf>, %slice3A_8, %reduce_max3A [0] : vector<65x2080xf32> to vector<2080xf32>
    %broadcast_in_dim3A = vector.shape_cast %reduce_max3A_9 : vector<2080xf32> to vector<1x2080xf32>
    %neg3A = arith.constant 0.000000e+00 : f32
    %neg3A_10 = vector.broadcast %neg3A : f32 to vector<65x2080xf32>
    %neg3A_11 = arith.subf %neg3A_10, %slice3A_8 : vector<65x2080xf32>
    %reduce_max3A_12 = arith.constant dense<0xFF800000> : vector<2080xf32>
    %reduce_max3A_13 = vector.multi_reduction <maximumf>, %neg3A_11, %reduce_max3A_12 [0] : vector<65x2080xf32> to vector<2080xf32>
    %broadcast_in_dim3A_14 = vector.shape_cast %reduce_max3A_13 : vector<2080xf32> to vector<1x2080xf32>
    %eq3A = vector.broadcast %broadcast_in_dim3A : vector<1x2080xf32> to vector<65x2080xf32>
    %eq3A_15 = arith.cmpf oeq, %slice3A_8, %eq3A : vector<65x2080xf32>
    %jit3A = arith.constant 65 : i32
    %broadcast_in_dim3A_16 = vector.broadcast %jit3A : i32 to vector<65x2080xi32>
    %select_n3A = arith.select %eq3A_15, %iota3A, %broadcast_in_dim3A_16 : vector<65x2080xi1>, vector<65x2080xi32>
    %reduce_min3A = arith.constant dense<2147483647> : vector<2080xi32>
    %reduce_min3A_17 = vector.multi_reduction <minsi>, %select_n3A, %reduce_min3A [0] : vector<65x2080xi32> to vector<2080xi32>
    %broadcast_in_dim3A_18 = vector.shape_cast %reduce_min3A_17 : vector<2080xi32> to vector<1x2080xi32>
    %neg3A_19 = arith.constant 0.000000e+00 : f32
    %neg3A_20 = vector.broadcast %neg3A_19 : f32 to vector<65x2080xf32>
    %neg3A_21 = arith.subf %neg3A_20, %slice3A_8 : vector<65x2080xf32>
    %eq3A_22 = vector.broadcast %broadcast_in_dim3A_14 : vector<1x2080xf32> to vector<65x2080xf32>
    %eq3A_23 = arith.cmpf oeq, %neg3A_21, %eq3A_22 : vector<65x2080xf32>
    %jit3A_24 = arith.constant 65 : i32
    %broadcast_in_dim3A_25 = vector.broadcast %jit3A_24 : i32 to vector<65x2080xi32>
    %select_n3A_26 = arith.select %eq3A_23, %iota3A, %broadcast_in_dim3A_25 : vector<65x2080xi1>, vector<65x2080xi32>
    %reduce_min3A_27 = arith.constant dense<2147483647> : vector<2080xi32>
    %reduce_min3A_28 = vector.multi_reduction <minsi>, %select_n3A_26, %reduce_min3A_27 [0] : vector<65x2080xi32> to vector<2080xi32>
    %broadcast_in_dim3A_29 = vector.shape_cast %reduce_min3A_28 : vector<2080xi32> to vector<1x2080xi32>
    %ge3A = arith.cmpf oge, %broadcast_in_dim3A, %broadcast_in_dim3A_14 : vector<1x2080xf32>
    %add3A = arith.constant 65 : i32
    %add3A_30 = vector.broadcast %add3A : i32 to vector<1x2080xi32>
    %add3A_31 = arith.addi %add3A_30, %broadcast_in_dim3A_29 : vector<1x2080xi32>
    %select_n3A_32 = arith.select %ge3A, %broadcast_in_dim3A_18, %add3A_31 : vector<1x2080xi1>, vector<1x2080xi32>
    %swap3A = arith.constant 0 : index
    %swap3A_33 = arith.constant 0 : index
    %swap3A_34 = arith.constant 0 : index
    %swap3A_35 = vector.load %arg3[%swap3A, %swap3A_33, %swap3A_34] : memref<1x4x2080xi32, #tpu.memory_space<vmem>>, vector<1x1x2080xi32>
    %swap3A_36 = vector.shape_cast %swap3A_35 : vector<1x1x2080xi32> to vector<1x2080xi32>
    %swap3A_37 = vector.shape_cast %select_n3A_32 : vector<1x2080xi32> to vector<1x1x2080xi32>
    tpu.vector_store %arg3[%swap3A, %swap3A_33, %swap3A_34], %swap3A_37 {strides = array<i32>} : memref<1x4x2080xi32, #tpu.memory_space<vmem>>, vector<1x1x2080xi32>,
    %slice3A_38 = vector.extract_strided_slice %dot_general3A_7 {offsets = [65, 0], sizes = [65, 2080], strides = [1, 1]} : vector<260x2080xf32> to vector<65x2080xf32>
    %reduce_max3A_39 = arith.constant dense<0xFF800000> : vector<2080xf32>
    %reduce_max3A_40 = vector.multi_reduction <maximumf>, %slice3A_38, %reduce_max3A_39 [0] : vector<65x2080xf32> to vector<2080xf32>
    %broadcast_in_dim3A_41 = vector.shape_cast %reduce_max3A_40 : vector<2080xf32> to vector<1x2080xf32>
    %neg3A_42 = arith.constant 0.000000e+00 : f32
    %neg3A_43 = vector.broadcast %neg3A_42 : f32 to vector<65x2080xf32>
    %neg3A_44 = arith.subf %neg3A_43, %slice3A_38 : vector<65x2080xf32>
    %reduce_max3A_45 = arith.constant dense<0xFF800000> : vector<2080xf32>
    %reduce_max3A_46 = vector.multi_reduction <maximumf>, %neg3A_44, %reduce_max3A_45 [0] : vector<65x2080xf32> to vector<2080xf32>
    %broadcast_in_dim3A_47 = vector.shape_cast %reduce_max3A_46 : vector<2080xf32> to vector<1x2080xf32>
    %eq3A_48 = vector.broadcast %broadcast_in_dim3A_41 : vector<1x2080xf32> to vector<65x2080xf32>
    %eq3A_49 = arith.cmpf oeq, %slice3A_38, %eq3A_48 : vector<65x2080xf32>
    %jit3A_50 = arith.constant 65 : i32
    %broadcast_in_dim3A_51 = vector.broadcast %jit3A_50 : i32 to vector<65x2080xi32>
    %select_n3A_52 = arith.select %eq3A_49, %iota3A, %broadcast_in_dim3A_51 : vector<65x2080xi1>, vector<65x2080xi32>
    %reduce_min3A_53 = arith.constant dense<2147483647> : vector<2080xi32>
    %reduce_min3A_54 = vector.multi_reduction <minsi>, %select_n3A_52, %reduce_min3A_53 [0] : vector<65x2080xi32> to vector<2080xi32>
    %broadcast_in_dim3A_55 = vector.shape_cast %reduce_min3A_54 : vector<2080xi32> to vector<1x2080xi32>
    %neg3A_56 = arith.constant 0.000000e+00 : f32
    %neg3A_57 = vector.broadcast %neg3A_56 : f32 to vector<65x2080xf32>
    %neg3A_58 = arith.subf %neg3A_57, %slice3A_38 : vector<65x2080xf32>
    %eq3A_59 = vector.broadcast %broadcast_in_dim3A_47 : vector<1x2080xf32> to vector<65x2080xf32>
    %eq3A_60 = arith.cmpf oeq, %neg3A_58, %eq3A_59 : vector<65x2080xf32>
    %jit3A_61 = arith.constant 65 : i32
    %broadcast_in_dim3A_62 = vector.broadcast %jit3A_61 : i32 to vector<65x2080xi32>
    %select_n3A_63 = arith.select %eq3A_60, %iota3A, %broadcast_in_dim3A_62 : vector<65x2080xi1>, vector<65x2080xi32>
    %reduce_min3A_64 = arith.constant dense<2147483647> : vector<2080xi32>
    %reduce_min3A_65 = vector.multi_reduction <minsi>, %select_n3A_63, %reduce_min3A_64 [0] : vector<65x2080xi32> to vector<2080xi32>
    %broadcast_in_dim3A_66 = vector.shape_cast %reduce_min3A_65 : vector<2080xi32> to vector<1x2080xi32>
    %ge3A_67 = arith.cmpf oge, %broadcast_in_dim3A_41, %broadcast_in_dim3A_47 : vector<1x2080xf32>
    %add3A_68 = arith.constant 65 : i32
    %add3A_69 = vector.broadcast %add3A_68 : i32 to vector<1x2080xi32>
    %add3A_70 = arith.addi %add3A_69, %broadcast_in_dim3A_66 : vector<1x2080xi32>
    %select_n3A_71 = arith.select %ge3A_67, %broadcast_in_dim3A_55, %add3A_70 : vector<1x2080xi1>, vector<1x2080xi32>
    %swap3A_72 = arith.constant 0 : index
    %swap3A_73 = arith.constant 1 : index
    %swap3A_74 = arith.constant 0 : index
    %swap3A_75 = vector.load %arg3[%swap3A_72, %swap3A_73, %swap3A_74] : memref<1x4x2080xi32, #tpu.memory_space<vmem>>, vector<1x1x2080xi32>
    %swap3A_76 = vector.shape_cast %swap3A_75 : vector<1x1x2080xi32> to vector<1x2080xi32>
    %swap3A_77 = vector.shape_cast %select_n3A_71 : vector<1x2080xi32> to vector<1x1x2080xi32>
    tpu.vector_store %arg3[%swap3A_72, %swap3A_73, %swap3A_74], %swap3A_77 {strides = array<i32>} : memref<1x4x2080xi32, #tpu.memory_space<vmem>>, vector<1x1x2080xi32>,
    %slice3A_78 = vector.extract_strided_slice %dot_general3A_7 {offsets = [130, 0], sizes = [65, 2080], strides = [1, 1]} : vector<260x2080xf32> to vector<65x2080xf32>
    %reduce_max3A_79 = arith.constant dense<0xFF800000> : vector<2080xf32>
    %reduce_max3A_80 = vector.multi_reduction <maximumf>, %slice3A_78, %reduce_max3A_79 [0] : vector<65x2080xf32> to vector<2080xf32>
    %broadcast_in_dim3A_81 = vector.shape_cast %reduce_max3A_80 : vector<2080xf32> to vector<1x2080xf32>
    %neg3A_82 = arith.constant 0.000000e+00 : f32
    %neg3A_83 = vector.broadcast %neg3A_82 : f32 to vector<65x2080xf32>
    %neg3A_84 = arith.subf %neg3A_83, %slice3A_78 : vector<65x2080xf32>
    %reduce_max3A_85 = arith.constant dense<0xFF800000> : vector<2080xf32>
    %reduce_max3A_86 = vector.multi_reduction <maximumf>, %neg3A_84, %reduce_max3A_85 [0] : vector<65x2080xf32> to vector<2080xf32>
    %broadcast_in_dim3A_87 = vector.shape_cast %reduce_max3A_86 : vector<2080xf32> to vector<1x2080xf32>
    %eq3A_88 = vector.broadcast %broadcast_in_dim3A_81 : vector<1x2080xf32> to vector<65x2080xf32>
    %eq3A_89 = arith.cmpf oeq, %slice3A_78, %eq3A_88 : vector<65x2080xf32>
    %jit3A_90 = arith.constant 65 : i32
    %broadcast_in_dim3A_91 = vector.broadcast %jit3A_90 : i32 to vector<65x2080xi32>
    %select_n3A_92 = arith.select %eq3A_89, %iota3A, %broadcast_in_dim3A_91 : vector<65x2080xi1>, vector<65x2080xi32>
    %reduce_min3A_93 = arith.constant dense<2147483647> : vector<2080xi32>
    %reduce_min3A_94 = vector.multi_reduction <minsi>, %select_n3A_92, %reduce_min3A_93 [0] : vector<65x2080xi32> to vector<2080xi32>
    %broadcast_in_dim3A_95 = vector.shape_cast %reduce_min3A_94 : vector<2080xi32> to vector<1x2080xi32>
    %neg3A_96 = arith.constant 0.000000e+00 : f32
    %neg3A_97 = vector.broadcast %neg3A_96 : f32 to vector<65x2080xf32>
    %neg3A_98 = arith.subf %neg3A_97, %slice3A_78 : vector<65x2080xf32>
    %eq3A_99 = vector.broadcast %broadcast_in_dim3A_87 : vector<1x2080xf32> to vector<65x2080xf32>
    %eq3A_100 = arith.cmpf oeq, %neg3A_98, %eq3A_99 : vector<65x2080xf32>
    %jit3A_101 = arith.constant 65 : i32
    %broadcast_in_dim3A_102 = vector.broadcast %jit3A_101 : i32 to vector<65x2080xi32>
    %select_n3A_103 = arith.select %eq3A_100, %iota3A, %broadcast_in_dim3A_102 : vector<65x2080xi1>, vector<65x2080xi32>
    %reduce_min3A_104 = arith.constant dense<2147483647> : vector<2080xi32>
    %reduce_min3A_105 = vector.multi_reduction <minsi>, %select_n3A_103, %reduce_min3A_104 [0] : vector<65x2080xi32> to vector<2080xi32>
    %broadcast_in_dim3A_106 = vector.shape_cast %reduce_min3A_105 : vector<2080xi32> to vector<1x2080xi32>
    %ge3A_107 = arith.cmpf oge, %broadcast_in_dim3A_81, %broadcast_in_dim3A_87 : vector<1x2080xf32>
    %add3A_108 = arith.constant 65 : i32
    %add3A_109 = vector.broadcast %add3A_108 : i32 to vector<1x2080xi32>
    %add3A_110 = arith.addi %add3A_109, %broadcast_in_dim3A_106 : vector<1x2080xi32>
    %select_n3A_111 = arith.select %ge3A_107, %broadcast_in_dim3A_95, %add3A_110 : vector<1x2080xi1>, vector<1x2080xi32>
    %swap3A_112 = arith.constant 0 : index
    %swap3A_113 = arith.constant 2 : index
    %swap3A_114 = arith.constant 0 : index
    %swap3A_115 = vector.load %arg3[%swap3A_112, %swap3A_113, %swap3A_114] : memref<1x4x2080xi32, #tpu.memory_space<vmem>>, vector<1x1x2080xi32>
    %swap3A_116 = vector.shape_cast %swap3A_115 : vector<1x1x2080xi32> to vector<1x2080xi32>
    %swap3A_117 = vector.shape_cast %select_n3A_111 : vector<1x2080xi32> to vector<1x1x2080xi32>
    tpu.vector_store %arg3[%swap3A_112, %swap3A_113, %swap3A_114], %swap3A_117 {strides = array<i32>} : memref<1x4x2080xi32, #tpu.memory_space<vmem>>, vector<1x1x2080xi32>,
    %slice3A_118 = vector.extract_strided_slice %dot_general3A_7 {offsets = [195, 0], sizes = [65, 2080], strides = [1, 1]} : vector<260x2080xf32> to vector<65x2080xf32>
    %reduce_max3A_119 = arith.constant dense<0xFF800000> : vector<2080xf32>
    %reduce_max3A_120 = vector.multi_reduction <maximumf>, %slice3A_118, %reduce_max3A_119 [0] : vector<65x2080xf32> to vector<2080xf32>
    %broadcast_in_dim3A_121 = vector.shape_cast %reduce_max3A_120 : vector<2080xf32> to vector<1x2080xf32>
    %neg3A_122 = arith.constant 0.000000e+00 : f32
    %neg3A_123 = vector.broadcast %neg3A_122 : f32 to vector<65x2080xf32>
    %neg3A_124 = arith.subf %neg3A_123, %slice3A_118 : vector<65x2080xf32>
    %reduce_max3A_125 = arith.constant dense<0xFF800000> : vector<2080xf32>
    %reduce_max3A_126 = vector.multi_reduction <maximumf>, %neg3A_124, %reduce_max3A_125 [0] : vector<65x2080xf32> to vector<2080xf32>
    %broadcast_in_dim3A_127 = vector.shape_cast %reduce_max3A_126 : vector<2080xf32> to vector<1x2080xf32>
    %eq3A_128 = vector.broadcast %broadcast_in_dim3A_121 : vector<1x2080xf32> to vector<65x2080xf32>
    %eq3A_129 = arith.cmpf oeq, %slice3A_118, %eq3A_128 : vector<65x2080xf32>
    %jit3A_130 = arith.constant 65 : i32
    %broadcast_in_dim3A_131 = vector.broadcast %jit3A_130 : i32 to vector<65x2080xi32>
    %select_n3A_132 = arith.select %eq3A_129, %iota3A, %broadcast_in_dim3A_131 : vector<65x2080xi1>, vector<65x2080xi32>
    %reduce_min3A_133 = arith.constant dense<2147483647> : vector<2080xi32>
    %reduce_min3A_134 = vector.multi_reduction <minsi>, %select_n3A_132, %reduce_min3A_133 [0] : vector<65x2080xi32> to vector<2080xi32>
    %broadcast_in_dim3A_135 = vector.shape_cast %reduce_min3A_134 : vector<2080xi32> to vector<1x2080xi32>
    %neg3A_136 = arith.constant 0.000000e+00 : f32
    %neg3A_137 = vector.broadcast %neg3A_136 : f32 to vector<65x2080xf32>
    %neg3A_138 = arith.subf %neg3A_137, %slice3A_118 : vector<65x2080xf32>
    %eq3A_139 = vector.broadcast %broadcast_in_dim3A_127 : vector<1x2080xf32> to vector<65x2080xf32>
    %eq3A_140 = arith.cmpf oeq, %neg3A_138, %eq3A_139 : vector<65x2080xf32>
    %jit3A_141 = arith.constant 65 : i32
    %broadcast_in_dim3A_142 = vector.broadcast %jit3A_141 : i32 to vector<65x2080xi32>
    %select_n3A_143 = arith.select %eq3A_140, %iota3A, %broadcast_in_dim3A_142 : vector<65x2080xi1>, vector<65x2080xi32>
    %reduce_min3A_144 = arith.constant dense<2147483647> : vector<2080xi32>
    %reduce_min3A_145 = vector.multi_reduction <minsi>, %select_n3A_143, %reduce_min3A_144 [0] : vector<65x2080xi32> to vector<2080xi32>
    %broadcast_in_dim3A_146 = vector.shape_cast %reduce_min3A_145 : vector<2080xi32> to vector<1x2080xi32>
    %ge3A_147 = arith.cmpf oge, %broadcast_in_dim3A_121, %broadcast_in_dim3A_127 : vector<1x2080xf32>
    %add3A_148 = arith.constant 65 : i32
    %add3A_149 = vector.broadcast %add3A_148 : i32 to vector<1x2080xi32>
    %add3A_150 = arith.addi %add3A_149, %broadcast_in_dim3A_146 : vector<1x2080xi32>
    %select_n3A_151 = arith.select %ge3A_147, %broadcast_in_dim3A_135, %add3A_150 : vector<1x2080xi1>, vector<1x2080xi32>
    %swap3A_152 = arith.constant 0 : index
    %swap3A_153 = arith.constant 3 : index
    %swap3A_154 = arith.constant 0 : index
    %swap3A_155 = vector.load %arg3[%swap3A_152, %swap3A_153, %swap3A_154] : memref<1x4x2080xi32, #tpu.memory_space<vmem>>, vector<1x1x2080xi32>
    %swap3A_156 = vector.shape_cast %swap3A_155 : vector<1x1x2080xi32> to vector<1x2080xi32>
    %swap3A_157 = vector.shape_cast %select_n3A_151 : vector<1x2080xi32> to vector<1x1x2080xi32>
    tpu.vector_store %arg3[%swap3A_152, %swap3A_153, %swap3A_154], %swap3A_157 {strides = array<i32>} : memref<1x4x2080xi32, #tpu.memory_space<vmem>>, vector<1x1x2080xi32>,
    return
  }
  func.func @transform_0(%arg0: i32) -> (i32, i32, i32) {
    %c0_i32 = arith.constant 0 : i32
    %c0_i32_0 = arith.constant 0 : i32
    %c0_i32_1 = arith.constant 0 : i32
    return %arg0, %c0_i32, %c0_i32_0 : i32, i32, i32
  }
  func.func @transform_1(%arg0: i32) -> (i32, i32) {
    %c0_i32 = arith.constant 0 : i32
    %c0_i32_0 = arith.constant 0 : i32
    %c0_i32_1 = arith.constant 0 : i32
    return %c0_i32, %c0_i32_0 : i32, i32
  }
  func.func @transform_2(%arg0: i32) -> (i32, i32, i32) {
    %c0_i32 = arith.constant 0 : i32
    %c0_i32_0 = arith.constant 0 : i32
    %c0_i32_1 = arith.constant 0 : i32
    return %arg0, %c0_i32, %c0_i32_0 : i32, i32, i32
  }
}

module attributes {stable_mosaic.version = 14 : i64} {
  func.func @_attn_kernel(%arg0: i32, %arg1: i32, %arg2: memref<1x2080x128xf32, #tpu.memory_space<vmem>>, %arg3: memref<1x16x128xf32, #tpu.memory_space<vmem>>, %arg4: memref<1x1x2080xi32, #tpu.memory_space<vmem>>, %arg5: memref<1x1x16xi32, #tpu.memory_space<vmem>>, %arg6: memref<1x2080x1xi32, #tpu.memory_space<vmem>>, %arg7: memref<1x2080x128xf32, #tpu.memory_space<vmem>>) attributes {dimension_semantics = [#tpu.dimension_semantics<parallel>, #tpu.dimension_semantics<parallel>], iteration_bounds = array<i64: 32, 4>, scalar_prefetch = 0 : i64, scratch_operands = 0 : i64, tpu.core_type = #tpu.core_type<tc>, window_params = [{transform_indices = @transform_0, window_bounds = array<i64: 1, 2080, 128>}, {transform_indices = @transform_1, window_bounds = array<i64: 1, 16, 128>}, {transform_indices = @transform_2, window_bounds = array<i64: 1, 1, 2080>}, {transform_indices = @transform_3, window_bounds = array<i64: 1, 1, 16>}, {transform_indices = @transform_4, window_bounds = array<i64: 1, 2080, 1>}, {transform_indices = @transform_5, window_bounds = array<i64: 1, 2080, 128>}]} {
    %get3A = arith.constant 0 : index
    %get3A_0 = arith.constant 0 : index
    %get3A_1 = arith.constant 0 : index
    %get3A_2 = vector.load %arg2[%get3A, %get3A_0, %get3A_1] : memref<1x2080x128xf32, #tpu.memory_space<vmem>>, vector<1x2080x128xf32>
    %get3A_3 = vector.shape_cast %get3A_2 : vector<1x2080x128xf32> to vector<2080x128xf32>
    %get3A_4 = arith.constant 0 : index
    %get3A_5 = arith.constant 0 : index
    %get3A_6 = arith.constant 0 : index
    %get3A_7 = vector.load %arg3[%get3A_4, %get3A_5, %get3A_6] : memref<1x16x128xf32, #tpu.memory_space<vmem>>, vector<1x16x128xf32>
    %get3A_8 = vector.shape_cast %get3A_7 : vector<1x16x128xf32> to vector<16x128xf32>
    %concatenate3A = tpu.concatenate %get3A_8, %get3A_3 in 0 : vector<16x128xf32>, vector<2080x128xf32> -> vector<2096x128xf32>
    %slice3A = vector.extract_strided_slice %concatenate3A {offsets = [0, 0], sizes = [2096, 64], strides = [1, 1]} : vector<2096x128xf32> to vector<2096x64xf32>
    %mul3A = arith.mulf %slice3A, %slice3A : vector<2096x64xf32>
    %reduce_sum3A = arith.constant dense<0.000000e+00> : vector<2096xf32>
    %reduce_sum3A_9 = vector.multi_reduction <add>, %mul3A, %reduce_sum3A [1] : vector<2096x64xf32> to vector<2096xf32>
    %broadcast_in_dim3A = vector.shape_cast %reduce_sum3A_9 : vector<2096xf32> to vector<2096x1xf32>
    %sqrt3A = math.sqrt %broadcast_in_dim3A : vector<2096x1xf32>
    %max3A = arith.constant 9.99999996E-13 : f32
    %max3A_10 = vector.broadcast %max3A : f32 to vector<2096x1xf32>
    %max3A_11 = arith.maximumf %sqrt3A, %max3A_10 : vector<2096x1xf32>
    %div3A = vector.broadcast %max3A_11 : vector<2096x1xf32> to vector<2096x64xf32>
    %div3A_12 = arith.divf %slice3A, %div3A : vector<2096x64xf32>
    %slice3A_13 = vector.extract_strided_slice %concatenate3A {offsets = [0, 64], sizes = [2096, 64], strides = [1, 1]} : vector<2096x128xf32> to vector<2096x64xf32>
    %get3A_14 = arith.constant 0 : index
    %get3A_15 = arith.constant 0 : index
    %get3A_16 = arith.constant 0 : index
    %get3A_17 = vector.load %arg5[%get3A_14, %get3A_15, %get3A_16] : memref<1x1x16xi32, #tpu.memory_space<vmem>>, vector<1x1x16xi32>
    %get3A_18 = vector.shape_cast %get3A_17 : vector<1x1x16xi32> to vector<1x16xi32>
    %get3A_19 = arith.constant 0 : index
    %get3A_20 = arith.constant 0 : index
    %get3A_21 = arith.constant 0 : index
    %get3A_22 = vector.load %arg4[%get3A_19, %get3A_20, %get3A_21] : memref<1x1x2080xi32, #tpu.memory_space<vmem>>, vector<1x1x2080xi32>
    %get3A_23 = vector.shape_cast %get3A_22 : vector<1x1x2080xi32> to vector<1x2080xi32>
    %concatenate3A_24 = tpu.concatenate %get3A_18, %get3A_23 in 1 : vector<1x16xi32>, vector<1x2080xi32> -> vector<1x2096xi32>
    %iota3A = tpu.iota {dimensions = array<i32: 0>} : vector<208x224xi32>
    %iota3A_25 = tpu.iota {dimensions = array<i32: 1>} : vector<208x224xi32>
    %jit3A = arith.constant 16 : i32
    %div3A_26 = vector.broadcast %jit3A : i32 to vector<208x224xi32>
    %div3A_27 = arith.divsi %iota3A, %div3A_26 : vector<208x224xi32>
    %sign3A = arith.constant 0 : i32
    %sign3A_28 = vector.broadcast %sign3A : i32 to vector<208x224xi32>
    %sign3A_29 = arith.cmpi sgt, %iota3A, %sign3A_28 : vector<208x224xi32>
    %sign3A_30 = arith.extui %sign3A_29 : vector<208x224xi1> to vector<208x224xi32>
    %sign3A_31 = arith.constant 0 : i32
    %sign3A_32 = vector.broadcast %sign3A_31 : i32 to vector<208x224xi32>
    %sign3A_33 = arith.cmpi slt, %iota3A, %sign3A_32 : vector<208x224xi32>
    %sign3A_34 = arith.extui %sign3A_33 : vector<208x224xi1> to vector<208x224xi32>
    %sign3A_35 = arith.subi %sign3A_30, %sign3A_34 : vector<208x224xi32>
    %sign3A_36 = arith.constant 0 : i32
    %sign3A_37 = arith.cmpi sgt, %jit3A, %sign3A_36 : i32
    %sign3A_38 = arith.extui %sign3A_37 : i1 to i32
    %sign3A_39 = arith.constant 0 : i32
    %sign3A_40 = arith.cmpi slt, %jit3A, %sign3A_39 : i32
    %sign3A_41 = arith.extui %sign3A_40 : i1 to i32
    %sign3A_42 = arith.subi %sign3A_38, %sign3A_41 : i32
    %ne3A = vector.broadcast %sign3A_42 : i32 to vector<208x224xi32>
    %ne3A_43 = arith.cmpi ne, %sign3A_35, %ne3A : vector<208x224xi32>
    %rem3A = vector.broadcast %jit3A : i32 to vector<208x224xi32>
    %rem3A_44 = arith.remsi %iota3A, %rem3A : vector<208x224xi32>
    %ne3A_45 = arith.constant 0 : i32
    %ne3A_46 = vector.broadcast %ne3A_45 : i32 to vector<208x224xi32>
    %ne3A_47 = arith.cmpi ne, %rem3A_44, %ne3A_46 : vector<208x224xi32>
    %and3A = arith.andi %ne3A_43, %ne3A_47 : vector<208x224xi1>
    %sub3A = arith.constant 1 : i32
    %sub3A_48 = vector.broadcast %sub3A : i32 to vector<208x224xi32>
    %sub3A_49 = arith.subi %div3A_27, %sub3A_48 : vector<208x224xi32>
    %select_n3A = arith.select %and3A, %sub3A_49, %div3A_27 : vector<208x224xi1>, vector<208x224xi32>
    %jit3A_50 = arith.constant 16 : i32
    %div3A_51 = vector.broadcast %jit3A_50 : i32 to vector<208x224xi32>
    %div3A_52 = arith.divsi %iota3A_25, %div3A_51 : vector<208x224xi32>
    %sign3A_53 = arith.constant 0 : i32
    %sign3A_54 = vector.broadcast %sign3A_53 : i32 to vector<208x224xi32>
    %sign3A_55 = arith.cmpi sgt, %iota3A_25, %sign3A_54 : vector<208x224xi32>
    %sign3A_56 = arith.extui %sign3A_55 : vector<208x224xi1> to vector<208x224xi32>
    %sign3A_57 = arith.constant 0 : i32
    %sign3A_58 = vector.broadcast %sign3A_57 : i32 to vector<208x224xi32>
    %sign3A_59 = arith.cmpi slt, %iota3A_25, %sign3A_58 : vector<208x224xi32>
    %sign3A_60 = arith.extui %sign3A_59 : vector<208x224xi1> to vector<208x224xi32>
    %sign3A_61 = arith.subi %sign3A_56, %sign3A_60 : vector<208x224xi32>
    %sign3A_62 = arith.constant 0 : i32
    %sign3A_63 = arith.cmpi sgt, %jit3A_50, %sign3A_62 : i32
    %sign3A_64 = arith.extui %sign3A_63 : i1 to i32
    %sign3A_65 = arith.constant 0 : i32
    %sign3A_66 = arith.cmpi slt, %jit3A_50, %sign3A_65 : i32
    %sign3A_67 = arith.extui %sign3A_66 : i1 to i32
    %sign3A_68 = arith.subi %sign3A_64, %sign3A_67 : i32
    %ne3A_69 = vector.broadcast %sign3A_68 : i32 to vector<208x224xi32>
    %ne3A_70 = arith.cmpi ne, %sign3A_61, %ne3A_69 : vector<208x224xi32>
    %rem3A_71 = vector.broadcast %jit3A_50 : i32 to vector<208x224xi32>
    %rem3A_72 = arith.remsi %iota3A_25, %rem3A_71 : vector<208x224xi32>
    %ne3A_73 = arith.constant 0 : i32
    %ne3A_74 = vector.broadcast %ne3A_73 : i32 to vector<208x224xi32>
    %ne3A_75 = arith.cmpi ne, %rem3A_72, %ne3A_74 : vector<208x224xi32>
    %and3A_76 = arith.andi %ne3A_70, %ne3A_75 : vector<208x224xi1>
    %sub3A_77 = arith.constant 1 : i32
    %sub3A_78 = vector.broadcast %sub3A_77 : i32 to vector<208x224xi32>
    %sub3A_79 = arith.subi %div3A_52, %sub3A_78 : vector<208x224xi32>
    %select_n3A_80 = arith.select %and3A_76, %sub3A_79, %div3A_52 : vector<208x224xi1>, vector<208x224xi32>
    %eq3A = arith.cmpi eq, %select_n3A_80, %select_n3A : vector<208x224xi32>
    %add3A = arith.constant 1 : i32
    %add3A_81 = vector.broadcast %add3A : i32 to vector<208x224xi32>
    %add3A_82 = arith.addi %select_n3A, %add3A_81 : vector<208x224xi32>
    %eq3A_83 = arith.cmpi eq, %select_n3A_80, %add3A_82 : vector<208x224xi32>
    %or3A = arith.ori %eq3A, %eq3A_83 : vector<208x224xi1>
    %jit3A_84 = arith.constant 0.000000e+00 : f32
    %jit3A_85 = arith.constant -1.000000e+30 : f32
    %broadcast_in_dim3A_86 = vector.broadcast %jit3A_84 : f32 to vector<208x224xf32>
    %broadcast_in_dim3A_87 = vector.broadcast %jit3A_85 : f32 to vector<208x224xf32>
    %select_n3A_88 = arith.select %or3A, %broadcast_in_dim3A_86, %broadcast_in_dim3A_87 : vector<208x224xi1>, vector<208x224xf32>
    %slice3A_89 = vector.extract_strided_slice %get3A_3 {offsets = [0, 0], sizes = [208, 64], strides = [1, 1]} : vector<2080x128xf32> to vector<208x64xf32>
    %slice3A_90 = vector.extract_strided_slice %div3A_12 {offsets = [0, 0], sizes = [224, 64], strides = [1, 1]} : vector<2096x64xf32> to vector<224x64xf32>
    %slice3A_91 = vector.extract_strided_slice %slice3A_13 {offsets = [0, 0], sizes = [224, 64], strides = [1, 1]} : vector<2096x64xf32> to vector<224x64xf32>
    %dot_general3A = arith.constant dense<0.000000e+00> : vector<208x224xf32>
    %dot_general3A_92 = tpu.matmul %slice3A_89, %slice3A_90, %dot_general3A {dimension_numbers = #tpu.dot_dimension_numbers<[1], [1], [0], [0], [0, 0, 1, 0], [], []>, transpose_lhs_hint = false} : vector<208x64xf32>, vector<224x64xf32>, vector<208x224xf32> -> vector<208x224xf32>
    %mul3A_93 = arith.constant 1.250000e-01 : f32
    %mul3A_94 = vector.broadcast %mul3A_93 : f32 to vector<208x224xf32>
    %mul3A_95 = arith.mulf %dot_general3A_92, %mul3A_94 : vector<208x224xf32>
    %get3A_96 = arith.constant 0 : index
    %get3A_97 = arith.constant 0 : index
    %get3A_98 = arith.constant 0 : index
    %get3A_99 = vector.load %arg6[%get3A_96, %get3A_97, %get3A_98] : memref<1x2080x1xi32, #tpu.memory_space<vmem>>, vector<1x2080x1xi32>
    %get3A_100 = vector.shape_cast %get3A_99 : vector<1x2080x1xi32> to vector<2080x1xi32>
    %slice3A_101 = vector.extract_strided_slice %get3A_100 {offsets = [0, 0], sizes = [208, 1], strides = [1, 1]} : vector<2080x1xi32> to vector<208x1xi32>
    %slice3A_102 = vector.extract_strided_slice %concatenate3A_24 {offsets = [0, 0], sizes = [1, 224], strides = [1, 1]} : vector<1x2096xi32> to vector<1x224xi32>
    %eq3A_103 = vector.broadcast %slice3A_101 : vector<208x1xi32> to vector<208x224xi32>
    %eq3A_104 = vector.broadcast %slice3A_102 : vector<1x224xi32> to vector<208x224xi32>
    %eq3A_105 = arith.cmpi eq, %eq3A_103, %eq3A_104 : vector<208x224xi32>
    %jit3A_106 = arith.constant -5.000000e+04 : f32
    %broadcast_in_dim3A_107 = vector.broadcast %jit3A_106 : f32 to vector<208x224xf32>
    %select_n3A_108 = arith.select %eq3A_105, %broadcast_in_dim3A_107, %mul3A_95 : vector<208x224xi1>, vector<208x224xf32>
    %add3A_109 = arith.addf %select_n3A_108, %select_n3A_88 : vector<208x224xf32>
    %reduce_max3A = arith.constant dense<0xFF800000> : vector<208xf32>
    %reduce_max3A_110 = vector.multi_reduction <maximumf>, %add3A_109, %reduce_max3A [1] : vector<208x224xf32> to vector<208xf32>
    %broadcast_in_dim3A_111 = vector.shape_cast %reduce_max3A_110 : vector<208xf32> to vector<208x1xf32>
    %sub3A_112 = vector.broadcast %broadcast_in_dim3A_111 : vector<208x1xf32> to vector<208x224xf32>
    %sub3A_113 = arith.subf %add3A_109, %sub3A_112 : vector<208x224xf32>
    %exp3A = math.exp %sub3A_113 : vector<208x224xf32>
    %reduce_sum3A_114 = arith.constant dense<0.000000e+00> : vector<208xf32>
    %reduce_sum3A_115 = vector.multi_reduction <add>, %exp3A, %reduce_sum3A_114 [1] : vector<208x224xf32> to vector<208xf32>
    %broadcast_in_dim3A_116 = vector.shape_cast %reduce_sum3A_115 : vector<208xf32> to vector<208x1xf32>
    %log3A = math.log %broadcast_in_dim3A_116 : vector<208x1xf32>
    %add3A_117 = arith.addf %broadcast_in_dim3A_111, %log3A : vector<208x1xf32>
    %div3A_118 = arith.constant 1.000000e+00 : f32
    %div3A_119 = vector.broadcast %div3A_118 : f32 to vector<208x1xf32>
    %div3A_120 = arith.divf %div3A_119, %broadcast_in_dim3A_116 : vector<208x1xf32>
    %mul3A_121 = arith.mulf %broadcast_in_dim3A_116, %div3A_120 : vector<208x1xf32>
    %sub3A_122 = arith.constant 2.000000e+00 : f32
    %sub3A_123 = vector.broadcast %sub3A_122 : f32 to vector<208x1xf32>
    %sub3A_124 = arith.subf %sub3A_123, %mul3A_121 : vector<208x1xf32>
    %mul3A_125 = arith.mulf %div3A_120, %sub3A_124 : vector<208x1xf32>
    %dot_general3A_126 = arith.constant dense<0.000000e+00> : vector<208x64xf32>
    %dot_general3A_127 = tpu.matmul %exp3A, %slice3A_91, %dot_general3A_126 {dimension_numbers = #tpu.dot_dimension_numbers<[1], [0], [0], [1], [0, 0, 1, 1], [], []>, transpose_lhs_hint = false} : vector<208x224xf32>, vector<224x64xf32>, vector<208x64xf32> -> vector<208x64xf32>
    %mul3A_128 = vector.broadcast %mul3A_125 : vector<208x1xf32> to vector<208x64xf32>
    %mul3A_129 = arith.mulf %dot_general3A_127, %mul3A_128 : vector<208x64xf32>
    %swap3A = arith.constant 0 : index
    %swap3A_130 = arith.constant 0 : index
    %swap3A_131 = arith.constant 0 : index
    %swap3A_132 = vector.load %arg7[%swap3A, %swap3A_130, %swap3A_131] : memref<1x2080x128xf32, #tpu.memory_space<vmem>>, vector<1x208x64xf32>
    %swap3A_133 = vector.shape_cast %swap3A_132 : vector<1x208x64xf32> to vector<208x64xf32>
    %swap3A_134 = vector.shape_cast %mul3A_129 : vector<208x64xf32> to vector<1x208x64xf32>
    tpu.vector_store %arg7[%swap3A, %swap3A_130, %swap3A_131], %swap3A_134 {strides = array<i32>} : memref<1x2080x128xf32, #tpu.memory_space<vmem>>, vector<1x208x64xf32>,
    %broadcast_in_dim3A_135 = vector.shape_cast %add3A_117 : vector<208x1xf32> to vector<208x1xf32>
    %broadcast_in_dim3A_136 = vector.broadcast %broadcast_in_dim3A_135 : vector<208x1xf32> to vector<208x64xf32>
    %swap3A_137 = arith.constant 0 : index
    %swap3A_138 = arith.constant 0 : index
    %swap3A_139 = arith.constant 64 : index
    %swap3A_140 = vector.load %arg7[%swap3A_137, %swap3A_138, %swap3A_139] : memref<1x2080x128xf32, #tpu.memory_space<vmem>>, vector<1x208x64xf32>
    %swap3A_141 = vector.shape_cast %swap3A_140 : vector<1x208x64xf32> to vector<208x64xf32>
    %swap3A_142 = vector.shape_cast %broadcast_in_dim3A_136 : vector<208x64xf32> to vector<1x208x64xf32>
    tpu.vector_store %arg7[%swap3A_137, %swap3A_138, %swap3A_139], %swap3A_142 {strides = array<i32>} : memref<1x2080x128xf32, #tpu.memory_space<vmem>>, vector<1x208x64xf32>,
    %slice3A_143 = vector.extract_strided_slice %get3A_3 {offsets = [208, 0], sizes = [208, 64], strides = [1, 1]} : vector<2080x128xf32> to vector<208x64xf32>
    %slice3A_144 = vector.extract_strided_slice %div3A_12 {offsets = [208, 0], sizes = [224, 64], strides = [1, 1]} : vector<2096x64xf32> to vector<224x64xf32>
    %slice3A_145 = vector.extract_strided_slice %slice3A_13 {offsets = [208, 0], sizes = [224, 64], strides = [1, 1]} : vector<2096x64xf32> to vector<224x64xf32>
    %dot_general3A_146 = arith.constant dense<0.000000e+00> : vector<208x224xf32>
    %dot_general3A_147 = tpu.matmul %slice3A_143, %slice3A_144, %dot_general3A_146 {dimension_numbers = #tpu.dot_dimension_numbers<[1], [1], [0], [0], [0, 0, 1, 0], [], []>, transpose_lhs_hint = false} : vector<208x64xf32>, vector<224x64xf32>, vector<208x224xf32> -> vector<208x224xf32>
    %mul3A_148 = arith.constant 1.250000e-01 : f32
    %mul3A_149 = vector.broadcast %mul3A_148 : f32 to vector<208x224xf32>
    %mul3A_150 = arith.mulf %dot_general3A_147, %mul3A_149 : vector<208x224xf32>
    %get3A_151 = arith.constant 0 : index
    %get3A_152 = arith.constant 0 : index
    %get3A_153 = arith.constant 0 : index
    %get3A_154 = vector.load %arg6[%get3A_151, %get3A_152, %get3A_153] : memref<1x2080x1xi32, #tpu.memory_space<vmem>>, vector<1x2080x1xi32>
    %get3A_155 = vector.shape_cast %get3A_154 : vector<1x2080x1xi32> to vector<2080x1xi32>
    %slice3A_156 = vector.extract_strided_slice %get3A_155 {offsets = [208, 0], sizes = [208, 1], strides = [1, 1]} : vector<2080x1xi32> to vector<208x1xi32>
    %slice3A_157 = vector.extract_strided_slice %concatenate3A_24 {offsets = [0, 208], sizes = [1, 224], strides = [1, 1]} : vector<1x2096xi32> to vector<1x224xi32>
    %eq3A_158 = vector.broadcast %slice3A_156 : vector<208x1xi32> to vector<208x224xi32>
    %eq3A_159 = vector.broadcast %slice3A_157 : vector<1x224xi32> to vector<208x224xi32>
    %eq3A_160 = arith.cmpi eq, %eq3A_158, %eq3A_159 : vector<208x224xi32>
    %jit3A_161 = arith.constant -5.000000e+04 : f32
    %broadcast_in_dim3A_162 = vector.broadcast %jit3A_161 : f32 to vector<208x224xf32>
    %select_n3A_163 = arith.select %eq3A_160, %broadcast_in_dim3A_162, %mul3A_150 : vector<208x224xi1>, vector<208x224xf32>
    %add3A_164 = arith.addf %select_n3A_163, %select_n3A_88 : vector<208x224xf32>
    %reduce_max3A_165 = arith.constant dense<0xFF800000> : vector<208xf32>
    %reduce_max3A_166 = vector.multi_reduction <maximumf>, %add3A_164, %reduce_max3A_165 [1] : vector<208x224xf32> to vector<208xf32>
    %broadcast_in_dim3A_167 = vector.shape_cast %reduce_max3A_166 : vector<208xf32> to vector<208x1xf32>
    %sub3A_168 = vector.broadcast %broadcast_in_dim3A_167 : vector<208x1xf32> to vector<208x224xf32>
    %sub3A_169 = arith.subf %add3A_164, %sub3A_168 : vector<208x224xf32>
    %exp3A_170 = math.exp %sub3A_169 : vector<208x224xf32>
    %reduce_sum3A_171 = arith.constant dense<0.000000e+00> : vector<208xf32>
    %reduce_sum3A_172 = vector.multi_reduction <add>, %exp3A_170, %reduce_sum3A_171 [1] : vector<208x224xf32> to vector<208xf32>
    %broadcast_in_dim3A_173 = vector.shape_cast %reduce_sum3A_172 : vector<208xf32> to vector<208x1xf32>
    %log3A_174 = math.log %broadcast_in_dim3A_173 : vector<208x1xf32>
    %add3A_175 = arith.addf %broadcast_in_dim3A_167, %log3A_174 : vector<208x1xf32>
    %div3A_176 = arith.constant 1.000000e+00 : f32
    %div3A_177 = vector.broadcast %div3A_176 : f32 to vector<208x1xf32>
    %div3A_178 = arith.divf %div3A_177, %broadcast_in_dim3A_173 : vector<208x1xf32>
    %mul3A_179 = arith.mulf %broadcast_in_dim3A_173, %div3A_178 : vector<208x1xf32>
    %sub3A_180 = arith.constant 2.000000e+00 : f32
    %sub3A_181 = vector.broadcast %sub3A_180 : f32 to vector<208x1xf32>
    %sub3A_182 = arith.subf %sub3A_181, %mul3A_179 : vector<208x1xf32>
    %mul3A_183 = arith.mulf %div3A_178, %sub3A_182 : vector<208x1xf32>
    %dot_general3A_184 = arith.constant dense<0.000000e+00> : vector<208x64xf32>
    %dot_general3A_185 = tpu.matmul %exp3A_170, %slice3A_145, %dot_general3A_184 {dimension_numbers = #tpu.dot_dimension_numbers<[1], [0], [0], [1], [0, 0, 1, 1], [], []>, transpose_lhs_hint = false} : vector<208x224xf32>, vector<224x64xf32>, vector<208x64xf32> -> vector<208x64xf32>
    %mul3A_186 = vector.broadcast %mul3A_183 : vector<208x1xf32> to vector<208x64xf32>
    %mul3A_187 = arith.mulf %dot_general3A_185, %mul3A_186 : vector<208x64xf32>
    %swap3A_188 = arith.constant 0 : index
    %swap3A_189 = arith.constant 208 : index
    %swap3A_190 = arith.constant 0 : index
    %swap3A_191 = vector.load %arg7[%swap3A_188, %swap3A_189, %swap3A_190] : memref<1x2080x128xf32, #tpu.memory_space<vmem>>, vector<1x208x64xf32>
    %swap3A_192 = vector.shape_cast %swap3A_191 : vector<1x208x64xf32> to vector<208x64xf32>
    %swap3A_193 = vector.shape_cast %mul3A_187 : vector<208x64xf32> to vector<1x208x64xf32>
    tpu.vector_store %arg7[%swap3A_188, %swap3A_189, %swap3A_190], %swap3A_193 {strides = array<i32>} : memref<1x2080x128xf32, #tpu.memory_space<vmem>>, vector<1x208x64xf32>,
    %broadcast_in_dim3A_194 = vector.shape_cast %add3A_175 : vector<208x1xf32> to vector<208x1xf32>
    %broadcast_in_dim3A_195 = vector.broadcast %broadcast_in_dim3A_194 : vector<208x1xf32> to vector<208x64xf32>
    %swap3A_196 = arith.constant 0 : index
    %swap3A_197 = arith.constant 208 : index
    %swap3A_198 = arith.constant 64 : index
    %swap3A_199 = vector.load %arg7[%swap3A_196, %swap3A_197, %swap3A_198] : memref<1x2080x128xf32, #tpu.memory_space<vmem>>, vector<1x208x64xf32>
    %swap3A_200 = vector.shape_cast %swap3A_199 : vector<1x208x64xf32> to vector<208x64xf32>
    %swap3A_201 = vector.shape_cast %broadcast_in_dim3A_195 : vector<208x64xf32> to vector<1x208x64xf32>
    tpu.vector_store %arg7[%swap3A_196, %swap3A_197, %swap3A_198], %swap3A_201 {strides = array<i32>} : memref<1x2080x128xf32, #tpu.memory_space<vmem>>, vector<1x208x64xf32>,
    %slice3A_202 = vector.extract_strided_slice %get3A_3 {offsets = [416, 0], sizes = [208, 64], strides = [1, 1]} : vector<2080x128xf32> to vector<208x64xf32>
    %slice3A_203 = vector.extract_strided_slice %div3A_12 {offsets = [416, 0], sizes = [224, 64], strides = [1, 1]} : vector<2096x64xf32> to vector<224x64xf32>
    %slice3A_204 = vector.extract_strided_slice %slice3A_13 {offsets = [416, 0], sizes = [224, 64], strides = [1, 1]} : vector<2096x64xf32> to vector<224x64xf32>
    %dot_general3A_205 = arith.constant dense<0.000000e+00> : vector<208x224xf32>
    %dot_general3A_206 = tpu.matmul %slice3A_202, %slice3A_203, %dot_general3A_205 {dimension_numbers = #tpu.dot_dimension_numbers<[1], [1], [0], [0], [0, 0, 1, 0], [], []>, transpose_lhs_hint = false} : vector<208x64xf32>, vector<224x64xf32>, vector<208x224xf32> -> vector<208x224xf32>
    %mul3A_207 = arith.constant 1.250000e-01 : f32
    %mul3A_208 = vector.broadcast %mul3A_207 : f32 to vector<208x224xf32>
    %mul3A_209 = arith.mulf %dot_general3A_206, %mul3A_208 : vector<208x224xf32>
    %get3A_210 = arith.constant 0 : index
    %get3A_211 = arith.constant 0 : index
    %get3A_212 = arith.constant 0 : index
    %get3A_213 = vector.load %arg6[%get3A_210, %get3A_211, %get3A_212] : memref<1x2080x1xi32, #tpu.memory_space<vmem>>, vector<1x2080x1xi32>
    %get3A_214 = vector.shape_cast %get3A_213 : vector<1x2080x1xi32> to vector<2080x1xi32>
    %slice3A_215 = vector.extract_strided_slice %get3A_214 {offsets = [416, 0], sizes = [208, 1], strides = [1, 1]} : vector<2080x1xi32> to vector<208x1xi32>
    %slice3A_216 = vector.extract_strided_slice %concatenate3A_24 {offsets = [0, 416], sizes = [1, 224], strides = [1, 1]} : vector<1x2096xi32> to vector<1x224xi32>
    %eq3A_217 = vector.broadcast %slice3A_215 : vector<208x1xi32> to vector<208x224xi32>
    %eq3A_218 = vector.broadcast %slice3A_216 : vector<1x224xi32> to vector<208x224xi32>
    %eq3A_219 = arith.cmpi eq, %eq3A_217, %eq3A_218 : vector<208x224xi32>
    %jit3A_220 = arith.constant -5.000000e+04 : f32
    %broadcast_in_dim3A_221 = vector.broadcast %jit3A_220 : f32 to vector<208x224xf32>
    %select_n3A_222 = arith.select %eq3A_219, %broadcast_in_dim3A_221, %mul3A_209 : vector<208x224xi1>, vector<208x224xf32>
    %add3A_223 = arith.addf %select_n3A_222, %select_n3A_88 : vector<208x224xf32>
    %reduce_max3A_224 = arith.constant dense<0xFF800000> : vector<208xf32>
    %reduce_max3A_225 = vector.multi_reduction <maximumf>, %add3A_223, %reduce_max3A_224 [1] : vector<208x224xf32> to vector<208xf32>
    %broadcast_in_dim3A_226 = vector.shape_cast %reduce_max3A_225 : vector<208xf32> to vector<208x1xf32>
    %sub3A_227 = vector.broadcast %broadcast_in_dim3A_226 : vector<208x1xf32> to vector<208x224xf32>
    %sub3A_228 = arith.subf %add3A_223, %sub3A_227 : vector<208x224xf32>
    %exp3A_229 = math.exp %sub3A_228 : vector<208x224xf32>
    %reduce_sum3A_230 = arith.constant dense<0.000000e+00> : vector<208xf32>
    %reduce_sum3A_231 = vector.multi_reduction <add>, %exp3A_229, %reduce_sum3A_230 [1] : vector<208x224xf32> to vector<208xf32>
    %broadcast_in_dim3A_232 = vector.shape_cast %reduce_sum3A_231 : vector<208xf32> to vector<208x1xf32>
    %log3A_233 = math.log %broadcast_in_dim3A_232 : vector<208x1xf32>
    %add3A_234 = arith.addf %broadcast_in_dim3A_226, %log3A_233 : vector<208x1xf32>
    %div3A_235 = arith.constant 1.000000e+00 : f32
    %div3A_236 = vector.broadcast %div3A_235 : f32 to vector<208x1xf32>
    %div3A_237 = arith.divf %div3A_236, %broadcast_in_dim3A_232 : vector<208x1xf32>
    %mul3A_238 = arith.mulf %broadcast_in_dim3A_232, %div3A_237 : vector<208x1xf32>
    %sub3A_239 = arith.constant 2.000000e+00 : f32
    %sub3A_240 = vector.broadcast %sub3A_239 : f32 to vector<208x1xf32>
    %sub3A_241 = arith.subf %sub3A_240, %mul3A_238 : vector<208x1xf32>
    %mul3A_242 = arith.mulf %div3A_237, %sub3A_241 : vector<208x1xf32>
    %dot_general3A_243 = arith.constant dense<0.000000e+00> : vector<208x64xf32>
    %dot_general3A_244 = tpu.matmul %exp3A_229, %slice3A_204, %dot_general3A_243 {dimension_numbers = #tpu.dot_dimension_numbers<[1], [0], [0], [1], [0, 0, 1, 1], [], []>, transpose_lhs_hint = false} : vector<208x224xf32>, vector<224x64xf32>, vector<208x64xf32> -> vector<208x64xf32>
    %mul3A_245 = vector.broadcast %mul3A_242 : vector<208x1xf32> to vector<208x64xf32>
    %mul3A_246 = arith.mulf %dot_general3A_244, %mul3A_245 : vector<208x64xf32>
    %swap3A_247 = arith.constant 0 : index
    %swap3A_248 = arith.constant 416 : index
    %swap3A_249 = arith.constant 0 : index
    %swap3A_250 = vector.load %arg7[%swap3A_247, %swap3A_248, %swap3A_249] : memref<1x2080x128xf32, #tpu.memory_space<vmem>>, vector<1x208x64xf32>
    %swap3A_251 = vector.shape_cast %swap3A_250 : vector<1x208x64xf32> to vector<208x64xf32>
    %swap3A_252 = vector.shape_cast %mul3A_246 : vector<208x64xf32> to vector<1x208x64xf32>
    tpu.vector_store %arg7[%swap3A_247, %swap3A_248, %swap3A_249], %swap3A_252 {strides = array<i32>} : memref<1x2080x128xf32, #tpu.memory_space<vmem>>, vector<1x208x64xf32>,
    %broadcast_in_dim3A_253 = vector.shape_cast %add3A_234 : vector<208x1xf32> to vector<208x1xf32>
    %broadcast_in_dim3A_254 = vector.broadcast %broadcast_in_dim3A_253 : vector<208x1xf32> to vector<208x64xf32>
    %swap3A_255 = arith.constant 0 : index
    %swap3A_256 = arith.constant 416 : index
    %swap3A_257 = arith.constant 64 : index
    %swap3A_258 = vector.load %arg7[%swap3A_255, %swap3A_256, %swap3A_257] : memref<1x2080x128xf32, #tpu.memory_space<vmem>>, vector<1x208x64xf32>
    %swap3A_259 = vector.shape_cast %swap3A_258 : vector<1x208x64xf32> to vector<208x64xf32>
    %swap3A_260 = vector.shape_cast %broadcast_in_dim3A_254 : vector<208x64xf32> to vector<1x208x64xf32>
    tpu.vector_store %arg7[%swap3A_255, %swap3A_256, %swap3A_257], %swap3A_260 {strides = array<i32>} : memref<1x2080x128xf32, #tpu.memory_space<vmem>>, vector<1x208x64xf32>,
    %slice3A_261 = vector.extract_strided_slice %get3A_3 {offsets = [624, 0], sizes = [208, 64], strides = [1, 1]} : vector<2080x128xf32> to vector<208x64xf32>
    %slice3A_262 = vector.extract_strided_slice %div3A_12 {offsets = [624, 0], sizes = [224, 64], strides = [1, 1]} : vector<2096x64xf32> to vector<224x64xf32>
    %slice3A_263 = vector.extract_strided_slice %slice3A_13 {offsets = [624, 0], sizes = [224, 64], strides = [1, 1]} : vector<2096x64xf32> to vector<224x64xf32>
    %dot_general3A_264 = arith.constant dense<0.000000e+00> : vector<208x224xf32>
    %dot_general3A_265 = tpu.matmul %slice3A_261, %slice3A_262, %dot_general3A_264 {dimension_numbers = #tpu.dot_dimension_numbers<[1], [1], [0], [0], [0, 0, 1, 0], [], []>, transpose_lhs_hint = false} : vector<208x64xf32>, vector<224x64xf32>, vector<208x224xf32> -> vector<208x224xf32>
    %mul3A_266 = arith.constant 1.250000e-01 : f32
    %mul3A_267 = vector.broadcast %mul3A_266 : f32 to vector<208x224xf32>
    %mul3A_268 = arith.mulf %dot_general3A_265, %mul3A_267 : vector<208x224xf32>
    %get3A_269 = arith.constant 0 : index
    %get3A_270 = arith.constant 0 : index
    %get3A_271 = arith.constant 0 : index
    %get3A_272 = vector.load %arg6[%get3A_269, %get3A_270, %get3A_271] : memref<1x2080x1xi32, #tpu.memory_space<vmem>>, vector<1x2080x1xi32>
    %get3A_273 = vector.shape_cast %get3A_272 : vector<1x2080x1xi32> to vector<2080x1xi32>
    %slice3A_274 = vector.extract_strided_slice %get3A_273 {offsets = [624, 0], sizes = [208, 1], strides = [1, 1]} : vector<2080x1xi32> to vector<208x1xi32>
    %slice3A_275 = vector.extract_strided_slice %concatenate3A_24 {offsets = [0, 624], sizes = [1, 224], strides = [1, 1]} : vector<1x2096xi32> to vector<1x224xi32>
    %eq3A_276 = vector.broadcast %slice3A_274 : vector<208x1xi32> to vector<208x224xi32>
    %eq3A_277 = vector.broadcast %slice3A_275 : vector<1x224xi32> to vector<208x224xi32>
    %eq3A_278 = arith.cmpi eq, %eq3A_276, %eq3A_277 : vector<208x224xi32>
    %jit3A_279 = arith.constant -5.000000e+04 : f32
    %broadcast_in_dim3A_280 = vector.broadcast %jit3A_279 : f32 to vector<208x224xf32>
    %select_n3A_281 = arith.select %eq3A_278, %broadcast_in_dim3A_280, %mul3A_268 : vector<208x224xi1>, vector<208x224xf32>
    %add3A_282 = arith.addf %select_n3A_281, %select_n3A_88 : vector<208x224xf32>
    %reduce_max3A_283 = arith.constant dense<0xFF800000> : vector<208xf32>
    %reduce_max3A_284 = vector.multi_reduction <maximumf>, %add3A_282, %reduce_max3A_283 [1] : vector<208x224xf32> to vector<208xf32>
    %broadcast_in_dim3A_285 = vector.shape_cast %reduce_max3A_284 : vector<208xf32> to vector<208x1xf32>
    %sub3A_286 = vector.broadcast %broadcast_in_dim3A_285 : vector<208x1xf32> to vector<208x224xf32>
    %sub3A_287 = arith.subf %add3A_282, %sub3A_286 : vector<208x224xf32>
    %exp3A_288 = math.exp %sub3A_287 : vector<208x224xf32>
    %reduce_sum3A_289 = arith.constant dense<0.000000e+00> : vector<208xf32>
    %reduce_sum3A_290 = vector.multi_reduction <add>, %exp3A_288, %reduce_sum3A_289 [1] : vector<208x224xf32> to vector<208xf32>
    %broadcast_in_dim3A_291 = vector.shape_cast %reduce_sum3A_290 : vector<208xf32> to vector<208x1xf32>
    %log3A_292 = math.log %broadcast_in_dim3A_291 : vector<208x1xf32>
    %add3A_293 = arith.addf %broadcast_in_dim3A_285, %log3A_292 : vector<208x1xf32>
    %div3A_294 = arith.constant 1.000000e+00 : f32
    %div3A_295 = vector.broadcast %div3A_294 : f32 to vector<208x1xf32>
    %div3A_296 = arith.divf %div3A_295, %broadcast_in_dim3A_291 : vector<208x1xf32>
    %mul3A_297 = arith.mulf %broadcast_in_dim3A_291, %div3A_296 : vector<208x1xf32>
    %sub3A_298 = arith.constant 2.000000e+00 : f32
    %sub3A_299 = vector.broadcast %sub3A_298 : f32 to vector<208x1xf32>
    %sub3A_300 = arith.subf %sub3A_299, %mul3A_297 : vector<208x1xf32>
    %mul3A_301 = arith.mulf %div3A_296, %sub3A_300 : vector<208x1xf32>
    %dot_general3A_302 = arith.constant dense<0.000000e+00> : vector<208x64xf32>
    %dot_general3A_303 = tpu.matmul %exp3A_288, %slice3A_263, %dot_general3A_302 {dimension_numbers = #tpu.dot_dimension_numbers<[1], [0], [0], [1], [0, 0, 1, 1], [], []>, transpose_lhs_hint = false} : vector<208x224xf32>, vector<224x64xf32>, vector<208x64xf32> -> vector<208x64xf32>
    %mul3A_304 = vector.broadcast %mul3A_301 : vector<208x1xf32> to vector<208x64xf32>
    %mul3A_305 = arith.mulf %dot_general3A_303, %mul3A_304 : vector<208x64xf32>
    %swap3A_306 = arith.constant 0 : index
    %swap3A_307 = arith.constant 624 : index
    %swap3A_308 = arith.constant 0 : index
    %swap3A_309 = vector.load %arg7[%swap3A_306, %swap3A_307, %swap3A_308] : memref<1x2080x128xf32, #tpu.memory_space<vmem>>, vector<1x208x64xf32>
    %swap3A_310 = vector.shape_cast %swap3A_309 : vector<1x208x64xf32> to vector<208x64xf32>
    %swap3A_311 = vector.shape_cast %mul3A_305 : vector<208x64xf32> to vector<1x208x64xf32>
    tpu.vector_store %arg7[%swap3A_306, %swap3A_307, %swap3A_308], %swap3A_311 {strides = array<i32>} : memref<1x2080x128xf32, #tpu.memory_space<vmem>>, vector<1x208x64xf32>,
    %broadcast_in_dim3A_312 = vector.shape_cast %add3A_293 : vector<208x1xf32> to vector<208x1xf32>
    %broadcast_in_dim3A_313 = vector.broadcast %broadcast_in_dim3A_312 : vector<208x1xf32> to vector<208x64xf32>
    %swap3A_314 = arith.constant 0 : index
    %swap3A_315 = arith.constant 624 : index
    %swap3A_316 = arith.constant 64 : index
    %swap3A_317 = vector.load %arg7[%swap3A_314, %swap3A_315, %swap3A_316] : memref<1x2080x128xf32, #tpu.memory_space<vmem>>, vector<1x208x64xf32>
    %swap3A_318 = vector.shape_cast %swap3A_317 : vector<1x208x64xf32> to vector<208x64xf32>
    %swap3A_319 = vector.shape_cast %broadcast_in_dim3A_313 : vector<208x64xf32> to vector<1x208x64xf32>
    tpu.vector_store %arg7[%swap3A_314, %swap3A_315, %swap3A_316], %swap3A_319 {strides = array<i32>} : memref<1x2080x128xf32, #tpu.memory_space<vmem>>, vector<1x208x64xf32>,
    %slice3A_320 = vector.extract_strided_slice %get3A_3 {offsets = [832, 0], sizes = [208, 64], strides = [1, 1]} : vector<2080x128xf32> to vector<208x64xf32>
    %slice3A_321 = vector.extract_strided_slice %div3A_12 {offsets = [832, 0], sizes = [224, 64], strides = [1, 1]} : vector<2096x64xf32> to vector<224x64xf32>
    %slice3A_322 = vector.extract_strided_slice %slice3A_13 {offsets = [832, 0], sizes = [224, 64], strides = [1, 1]} : vector<2096x64xf32> to vector<224x64xf32>
    %dot_general3A_323 = arith.constant dense<0.000000e+00> : vector<208x224xf32>
    %dot_general3A_324 = tpu.matmul %slice3A_320, %slice3A_321, %dot_general3A_323 {dimension_numbers = #tpu.dot_dimension_numbers<[1], [1], [0], [0], [0, 0, 1, 0], [], []>, transpose_lhs_hint = false} : vector<208x64xf32>, vector<224x64xf32>, vector<208x224xf32> -> vector<208x224xf32>
    %mul3A_325 = arith.constant 1.250000e-01 : f32
    %mul3A_326 = vector.broadcast %mul3A_325 : f32 to vector<208x224xf32>
    %mul3A_327 = arith.mulf %dot_general3A_324, %mul3A_326 : vector<208x224xf32>
    %get3A_328 = arith.constant 0 : index
    %get3A_329 = arith.constant 0 : index
    %get3A_330 = arith.constant 0 : index
    %get3A_331 = vector.load %arg6[%get3A_328, %get3A_329, %get3A_330] : memref<1x2080x1xi32, #tpu.memory_space<vmem>>, vector<1x2080x1xi32>
    %get3A_332 = vector.shape_cast %get3A_331 : vector<1x2080x1xi32> to vector<2080x1xi32>
    %slice3A_333 = vector.extract_strided_slice %get3A_332 {offsets = [832, 0], sizes = [208, 1], strides = [1, 1]} : vector<2080x1xi32> to vector<208x1xi32>
    %slice3A_334 = vector.extract_strided_slice %concatenate3A_24 {offsets = [0, 832], sizes = [1, 224], strides = [1, 1]} : vector<1x2096xi32> to vector<1x224xi32>
    %eq3A_335 = vector.broadcast %slice3A_333 : vector<208x1xi32> to vector<208x224xi32>
    %eq3A_336 = vector.broadcast %slice3A_334 : vector<1x224xi32> to vector<208x224xi32>
    %eq3A_337 = arith.cmpi eq, %eq3A_335, %eq3A_336 : vector<208x224xi32>
    %jit3A_338 = arith.constant -5.000000e+04 : f32
    %broadcast_in_dim3A_339 = vector.broadcast %jit3A_338 : f32 to vector<208x224xf32>
    %select_n3A_340 = arith.select %eq3A_337, %broadcast_in_dim3A_339, %mul3A_327 : vector<208x224xi1>, vector<208x224xf32>
    %add3A_341 = arith.addf %select_n3A_340, %select_n3A_88 : vector<208x224xf32>
    %reduce_max3A_342 = arith.constant dense<0xFF800000> : vector<208xf32>
    %reduce_max3A_343 = vector.multi_reduction <maximumf>, %add3A_341, %reduce_max3A_342 [1] : vector<208x224xf32> to vector<208xf32>
    %broadcast_in_dim3A_344 = vector.shape_cast %reduce_max3A_343 : vector<208xf32> to vector<208x1xf32>
    %sub3A_345 = vector.broadcast %broadcast_in_dim3A_344 : vector<208x1xf32> to vector<208x224xf32>
    %sub3A_346 = arith.subf %add3A_341, %sub3A_345 : vector<208x224xf32>
    %exp3A_347 = math.exp %sub3A_346 : vector<208x224xf32>
    %reduce_sum3A_348 = arith.constant dense<0.000000e+00> : vector<208xf32>
    %reduce_sum3A_349 = vector.multi_reduction <add>, %exp3A_347, %reduce_sum3A_348 [1] : vector<208x224xf32> to vector<208xf32>
    %broadcast_in_dim3A_350 = vector.shape_cast %reduce_sum3A_349 : vector<208xf32> to vector<208x1xf32>
    %log3A_351 = math.log %broadcast_in_dim3A_350 : vector<208x1xf32>
    %add3A_352 = arith.addf %broadcast_in_dim3A_344, %log3A_351 : vector<208x1xf32>
    %div3A_353 = arith.constant 1.000000e+00 : f32
    %div3A_354 = vector.broadcast %div3A_353 : f32 to vector<208x1xf32>
    %div3A_355 = arith.divf %div3A_354, %broadcast_in_dim3A_350 : vector<208x1xf32>
    %mul3A_356 = arith.mulf %broadcast_in_dim3A_350, %div3A_355 : vector<208x1xf32>
    %sub3A_357 = arith.constant 2.000000e+00 : f32
    %sub3A_358 = vector.broadcast %sub3A_357 : f32 to vector<208x1xf32>
    %sub3A_359 = arith.subf %sub3A_358, %mul3A_356 : vector<208x1xf32>
    %mul3A_360 = arith.mulf %div3A_355, %sub3A_359 : vector<208x1xf32>
    %dot_general3A_361 = arith.constant dense<0.000000e+00> : vector<208x64xf32>
    %dot_general3A_362 = tpu.matmul %exp3A_347, %slice3A_322, %dot_general3A_361 {dimension_numbers = #tpu.dot_dimension_numbers<[1], [0], [0], [1], [0, 0, 1, 1], [], []>, transpose_lhs_hint = false} : vector<208x224xf32>, vector<224x64xf32>, vector<208x64xf32> -> vector<208x64xf32>
    %mul3A_363 = vector.broadcast %mul3A_360 : vector<208x1xf32> to vector<208x64xf32>
    %mul3A_364 = arith.mulf %dot_general3A_362, %mul3A_363 : vector<208x64xf32>
    %swap3A_365 = arith.constant 0 : index
    %swap3A_366 = arith.constant 832 : index
    %swap3A_367 = arith.constant 0 : index
    %swap3A_368 = vector.load %arg7[%swap3A_365, %swap3A_366, %swap3A_367] : memref<1x2080x128xf32, #tpu.memory_space<vmem>>, vector<1x208x64xf32>
    %swap3A_369 = vector.shape_cast %swap3A_368 : vector<1x208x64xf32> to vector<208x64xf32>
    %swap3A_370 = vector.shape_cast %mul3A_364 : vector<208x64xf32> to vector<1x208x64xf32>
    tpu.vector_store %arg7[%swap3A_365, %swap3A_366, %swap3A_367], %swap3A_370 {strides = array<i32>} : memref<1x2080x128xf32, #tpu.memory_space<vmem>>, vector<1x208x64xf32>,
    %broadcast_in_dim3A_371 = vector.shape_cast %add3A_352 : vector<208x1xf32> to vector<208x1xf32>
    %broadcast_in_dim3A_372 = vector.broadcast %broadcast_in_dim3A_371 : vector<208x1xf32> to vector<208x64xf32>
    %swap3A_373 = arith.constant 0 : index
    %swap3A_374 = arith.constant 832 : index
    %swap3A_375 = arith.constant 64 : index
    %swap3A_376 = vector.load %arg7[%swap3A_373, %swap3A_374, %swap3A_375] : memref<1x2080x128xf32, #tpu.memory_space<vmem>>, vector<1x208x64xf32>
    %swap3A_377 = vector.shape_cast %swap3A_376 : vector<1x208x64xf32> to vector<208x64xf32>
    %swap3A_378 = vector.shape_cast %broadcast_in_dim3A_372 : vector<208x64xf32> to vector<1x208x64xf32>
    tpu.vector_store %arg7[%swap3A_373, %swap3A_374, %swap3A_375], %swap3A_378 {strides = array<i32>} : memref<1x2080x128xf32, #tpu.memory_space<vmem>>, vector<1x208x64xf32>,
    %slice3A_379 = vector.extract_strided_slice %get3A_3 {offsets = [1040, 0], sizes = [208, 64], strides = [1, 1]} : vector<2080x128xf32> to vector<208x64xf32>
    %slice3A_380 = vector.extract_strided_slice %div3A_12 {offsets = [1040, 0], sizes = [224, 64], strides = [1, 1]} : vector<2096x64xf32> to vector<224x64xf32>
    %slice3A_381 = vector.extract_strided_slice %slice3A_13 {offsets = [1040, 0], sizes = [224, 64], strides = [1, 1]} : vector<2096x64xf32> to vector<224x64xf32>
    %dot_general3A_382 = arith.constant dense<0.000000e+00> : vector<208x224xf32>
    %dot_general3A_383 = tpu.matmul %slice3A_379, %slice3A_380, %dot_general3A_382 {dimension_numbers = #tpu.dot_dimension_numbers<[1], [1], [0], [0], [0, 0, 1, 0], [], []>, transpose_lhs_hint = false} : vector<208x64xf32>, vector<224x64xf32>, vector<208x224xf32> -> vector<208x224xf32>
    %mul3A_384 = arith.constant 1.250000e-01 : f32
    %mul3A_385 = vector.broadcast %mul3A_384 : f32 to vector<208x224xf32>
    %mul3A_386 = arith.mulf %dot_general3A_383, %mul3A_385 : vector<208x224xf32>
    %get3A_387 = arith.constant 0 : index
    %get3A_388 = arith.constant 0 : index
    %get3A_389 = arith.constant 0 : index
    %get3A_390 = vector.load %arg6[%get3A_387, %get3A_388, %get3A_389] : memref<1x2080x1xi32, #tpu.memory_space<vmem>>, vector<1x2080x1xi32>
    %get3A_391 = vector.shape_cast %get3A_390 : vector<1x2080x1xi32> to vector<2080x1xi32>
    %slice3A_392 = vector.extract_strided_slice %get3A_391 {offsets = [1040, 0], sizes = [208, 1], strides = [1, 1]} : vector<2080x1xi32> to vector<208x1xi32>
    %slice3A_393 = vector.extract_strided_slice %concatenate3A_24 {offsets = [0, 1040], sizes = [1, 224], strides = [1, 1]} : vector<1x2096xi32> to vector<1x224xi32>
    %eq3A_394 = vector.broadcast %slice3A_392 : vector<208x1xi32> to vector<208x224xi32>
    %eq3A_395 = vector.broadcast %slice3A_393 : vector<1x224xi32> to vector<208x224xi32>
    %eq3A_396 = arith.cmpi eq, %eq3A_394, %eq3A_395 : vector<208x224xi32>
    %jit3A_397 = arith.constant -5.000000e+04 : f32
    %broadcast_in_dim3A_398 = vector.broadcast %jit3A_397 : f32 to vector<208x224xf32>
    %select_n3A_399 = arith.select %eq3A_396, %broadcast_in_dim3A_398, %mul3A_386 : vector<208x224xi1>, vector<208x224xf32>
    %add3A_400 = arith.addf %select_n3A_399, %select_n3A_88 : vector<208x224xf32>
    %reduce_max3A_401 = arith.constant dense<0xFF800000> : vector<208xf32>
    %reduce_max3A_402 = vector.multi_reduction <maximumf>, %add3A_400, %reduce_max3A_401 [1] : vector<208x224xf32> to vector<208xf32>
    %broadcast_in_dim3A_403 = vector.shape_cast %reduce_max3A_402 : vector<208xf32> to vector<208x1xf32>
    %sub3A_404 = vector.broadcast %broadcast_in_dim3A_403 : vector<208x1xf32> to vector<208x224xf32>
    %sub3A_405 = arith.subf %add3A_400, %sub3A_404 : vector<208x224xf32>
    %exp3A_406 = math.exp %sub3A_405 : vector<208x224xf32>
    %reduce_sum3A_407 = arith.constant dense<0.000000e+00> : vector<208xf32>
    %reduce_sum3A_408 = vector.multi_reduction <add>, %exp3A_406, %reduce_sum3A_407 [1] : vector<208x224xf32> to vector<208xf32>
    %broadcast_in_dim3A_409 = vector.shape_cast %reduce_sum3A_408 : vector<208xf32> to vector<208x1xf32>
    %log3A_410 = math.log %broadcast_in_dim3A_409 : vector<208x1xf32>
    %add3A_411 = arith.addf %broadcast_in_dim3A_403, %log3A_410 : vector<208x1xf32>
    %div3A_412 = arith.constant 1.000000e+00 : f32
    %div3A_413 = vector.broadcast %div3A_412 : f32 to vector<208x1xf32>
    %div3A_414 = arith.divf %div3A_413, %broadcast_in_dim3A_409 : vector<208x1xf32>
    %mul3A_415 = arith.mulf %broadcast_in_dim3A_409, %div3A_414 : vector<208x1xf32>
    %sub3A_416 = arith.constant 2.000000e+00 : f32
    %sub3A_417 = vector.broadcast %sub3A_416 : f32 to vector<208x1xf32>
    %sub3A_418 = arith.subf %sub3A_417, %mul3A_415 : vector<208x1xf32>
    %mul3A_419 = arith.mulf %div3A_414, %sub3A_418 : vector<208x1xf32>
    %dot_general3A_420 = arith.constant dense<0.000000e+00> : vector<208x64xf32>
    %dot_general3A_421 = tpu.matmul %exp3A_406, %slice3A_381, %dot_general3A_420 {dimension_numbers = #tpu.dot_dimension_numbers<[1], [0], [0], [1], [0, 0, 1, 1], [], []>, transpose_lhs_hint = false} : vector<208x224xf32>, vector<224x64xf32>, vector<208x64xf32> -> vector<208x64xf32>
    %mul3A_422 = vector.broadcast %mul3A_419 : vector<208x1xf32> to vector<208x64xf32>
    %mul3A_423 = arith.mulf %dot_general3A_421, %mul3A_422 : vector<208x64xf32>
    %swap3A_424 = arith.constant 0 : index
    %swap3A_425 = arith.constant 1040 : index
    %swap3A_426 = arith.constant 0 : index
    %swap3A_427 = vector.load %arg7[%swap3A_424, %swap3A_425, %swap3A_426] : memref<1x2080x128xf32, #tpu.memory_space<vmem>>, vector<1x208x64xf32>
    %swap3A_428 = vector.shape_cast %swap3A_427 : vector<1x208x64xf32> to vector<208x64xf32>
    %swap3A_429 = vector.shape_cast %mul3A_423 : vector<208x64xf32> to vector<1x208x64xf32>
    tpu.vector_store %arg7[%swap3A_424, %swap3A_425, %swap3A_426], %swap3A_429 {strides = array<i32>} : memref<1x2080x128xf32, #tpu.memory_space<vmem>>, vector<1x208x64xf32>,
    %broadcast_in_dim3A_430 = vector.shape_cast %add3A_411 : vector<208x1xf32> to vector<208x1xf32>
    %broadcast_in_dim3A_431 = vector.broadcast %broadcast_in_dim3A_430 : vector<208x1xf32> to vector<208x64xf32>
    %swap3A_432 = arith.constant 0 : index
    %swap3A_433 = arith.constant 1040 : index
    %swap3A_434 = arith.constant 64 : index
    %swap3A_435 = vector.load %arg7[%swap3A_432, %swap3A_433, %swap3A_434] : memref<1x2080x128xf32, #tpu.memory_space<vmem>>, vector<1x208x64xf32>
    %swap3A_436 = vector.shape_cast %swap3A_435 : vector<1x208x64xf32> to vector<208x64xf32>
    %swap3A_437 = vector.shape_cast %broadcast_in_dim3A_431 : vector<208x64xf32> to vector<1x208x64xf32>
    tpu.vector_store %arg7[%swap3A_432, %swap3A_433, %swap3A_434], %swap3A_437 {strides = array<i32>} : memref<1x2080x128xf32, #tpu.memory_space<vmem>>, vector<1x208x64xf32>,
    %slice3A_438 = vector.extract_strided_slice %get3A_3 {offsets = [1248, 0], sizes = [208, 64], strides = [1, 1]} : vector<2080x128xf32> to vector<208x64xf32>
    %slice3A_439 = vector.extract_strided_slice %div3A_12 {offsets = [1248, 0], sizes = [224, 64], strides = [1, 1]} : vector<2096x64xf32> to vector<224x64xf32>
    %slice3A_440 = vector.extract_strided_slice %slice3A_13 {offsets = [1248, 0], sizes = [224, 64], strides = [1, 1]} : vector<2096x64xf32> to vector<224x64xf32>
    %dot_general3A_441 = arith.constant dense<0.000000e+00> : vector<208x224xf32>
    %dot_general3A_442 = tpu.matmul %slice3A_438, %slice3A_439, %dot_general3A_441 {dimension_numbers = #tpu.dot_dimension_numbers<[1], [1], [0], [0], [0, 0, 1, 0], [], []>, transpose_lhs_hint = false} : vector<208x64xf32>, vector<224x64xf32>, vector<208x224xf32> -> vector<208x224xf32>
    %mul3A_443 = arith.constant 1.250000e-01 : f32
    %mul3A_444 = vector.broadcast %mul3A_443 : f32 to vector<208x224xf32>
    %mul3A_445 = arith.mulf %dot_general3A_442, %mul3A_444 : vector<208x224xf32>
    %get3A_446 = arith.constant 0 : index
    %get3A_447 = arith.constant 0 : index
    %get3A_448 = arith.constant 0 : index
    %get3A_449 = vector.load %arg6[%get3A_446, %get3A_447, %get3A_448] : memref<1x2080x1xi32, #tpu.memory_space<vmem>>, vector<1x2080x1xi32>
    %get3A_450 = vector.shape_cast %get3A_449 : vector<1x2080x1xi32> to vector<2080x1xi32>
    %slice3A_451 = vector.extract_strided_slice %get3A_450 {offsets = [1248, 0], sizes = [208, 1], strides = [1, 1]} : vector<2080x1xi32> to vector<208x1xi32>
    %slice3A_452 = vector.extract_strided_slice %concatenate3A_24 {offsets = [0, 1248], sizes = [1, 224], strides = [1, 1]} : vector<1x2096xi32> to vector<1x224xi32>
    %eq3A_453 = vector.broadcast %slice3A_451 : vector<208x1xi32> to vector<208x224xi32>
    %eq3A_454 = vector.broadcast %slice3A_452 : vector<1x224xi32> to vector<208x224xi32>
    %eq3A_455 = arith.cmpi eq, %eq3A_453, %eq3A_454 : vector<208x224xi32>
    %jit3A_456 = arith.constant -5.000000e+04 : f32
    %broadcast_in_dim3A_457 = vector.broadcast %jit3A_456 : f32 to vector<208x224xf32>
    %select_n3A_458 = arith.select %eq3A_455, %broadcast_in_dim3A_457, %mul3A_445 : vector<208x224xi1>, vector<208x224xf32>
    %add3A_459 = arith.addf %select_n3A_458, %select_n3A_88 : vector<208x224xf32>
    %reduce_max3A_460 = arith.constant dense<0xFF800000> : vector<208xf32>
    %reduce_max3A_461 = vector.multi_reduction <maximumf>, %add3A_459, %reduce_max3A_460 [1] : vector<208x224xf32> to vector<208xf32>
    %broadcast_in_dim3A_462 = vector.shape_cast %reduce_max3A_461 : vector<208xf32> to vector<208x1xf32>
    %sub3A_463 = vector.broadcast %broadcast_in_dim3A_462 : vector<208x1xf32> to vector<208x224xf32>
    %sub3A_464 = arith.subf %add3A_459, %sub3A_463 : vector<208x224xf32>
    %exp3A_465 = math.exp %sub3A_464 : vector<208x224xf32>
    %reduce_sum3A_466 = arith.constant dense<0.000000e+00> : vector<208xf32>
    %reduce_sum3A_467 = vector.multi_reduction <add>, %exp3A_465, %reduce_sum3A_466 [1] : vector<208x224xf32> to vector<208xf32>
    %broadcast_in_dim3A_468 = vector.shape_cast %reduce_sum3A_467 : vector<208xf32> to vector<208x1xf32>
    %log3A_469 = math.log %broadcast_in_dim3A_468 : vector<208x1xf32>
    %add3A_470 = arith.addf %broadcast_in_dim3A_462, %log3A_469 : vector<208x1xf32>
    %div3A_471 = arith.constant 1.000000e+00 : f32
    %div3A_472 = vector.broadcast %div3A_471 : f32 to vector<208x1xf32>
    %div3A_473 = arith.divf %div3A_472, %broadcast_in_dim3A_468 : vector<208x1xf32>
    %mul3A_474 = arith.mulf %broadcast_in_dim3A_468, %div3A_473 : vector<208x1xf32>
    %sub3A_475 = arith.constant 2.000000e+00 : f32
    %sub3A_476 = vector.broadcast %sub3A_475 : f32 to vector<208x1xf32>
    %sub3A_477 = arith.subf %sub3A_476, %mul3A_474 : vector<208x1xf32>
    %mul3A_478 = arith.mulf %div3A_473, %sub3A_477 : vector<208x1xf32>
    %dot_general3A_479 = arith.constant dense<0.000000e+00> : vector<208x64xf32>
    %dot_general3A_480 = tpu.matmul %exp3A_465, %slice3A_440, %dot_general3A_479 {dimension_numbers = #tpu.dot_dimension_numbers<[1], [0], [0], [1], [0, 0, 1, 1], [], []>, transpose_lhs_hint = false} : vector<208x224xf32>, vector<224x64xf32>, vector<208x64xf32> -> vector<208x64xf32>
    %mul3A_481 = vector.broadcast %mul3A_478 : vector<208x1xf32> to vector<208x64xf32>
    %mul3A_482 = arith.mulf %dot_general3A_480, %mul3A_481 : vector<208x64xf32>
    %swap3A_483 = arith.constant 0 : index
    %swap3A_484 = arith.constant 1248 : index
    %swap3A_485 = arith.constant 0 : index
    %swap3A_486 = vector.load %arg7[%swap3A_483, %swap3A_484, %swap3A_485] : memref<1x2080x128xf32, #tpu.memory_space<vmem>>, vector<1x208x64xf32>
    %swap3A_487 = vector.shape_cast %swap3A_486 : vector<1x208x64xf32> to vector<208x64xf32>
    %swap3A_488 = vector.shape_cast %mul3A_482 : vector<208x64xf32> to vector<1x208x64xf32>
    tpu.vector_store %arg7[%swap3A_483, %swap3A_484, %swap3A_485], %swap3A_488 {strides = array<i32>} : memref<1x2080x128xf32, #tpu.memory_space<vmem>>, vector<1x208x64xf32>,
    %broadcast_in_dim3A_489 = vector.shape_cast %add3A_470 : vector<208x1xf32> to vector<208x1xf32>
    %broadcast_in_dim3A_490 = vector.broadcast %broadcast_in_dim3A_489 : vector<208x1xf32> to vector<208x64xf32>
    %swap3A_491 = arith.constant 0 : index
    %swap3A_492 = arith.constant 1248 : index
    %swap3A_493 = arith.constant 64 : index
    %swap3A_494 = vector.load %arg7[%swap3A_491, %swap3A_492, %swap3A_493] : memref<1x2080x128xf32, #tpu.memory_space<vmem>>, vector<1x208x64xf32>
    %swap3A_495 = vector.shape_cast %swap3A_494 : vector<1x208x64xf32> to vector<208x64xf32>
    %swap3A_496 = vector.shape_cast %broadcast_in_dim3A_490 : vector<208x64xf32> to vector<1x208x64xf32>
    tpu.vector_store %arg7[%swap3A_491, %swap3A_492, %swap3A_493], %swap3A_496 {strides = array<i32>} : memref<1x2080x128xf32, #tpu.memory_space<vmem>>, vector<1x208x64xf32>,
    %slice3A_497 = vector.extract_strided_slice %get3A_3 {offsets = [1456, 0], sizes = [208, 64], strides = [1, 1]} : vector<2080x128xf32> to vector<208x64xf32>
    %slice3A_498 = vector.extract_strided_slice %div3A_12 {offsets = [1456, 0], sizes = [224, 64], strides = [1, 1]} : vector<2096x64xf32> to vector<224x64xf32>
    %slice3A_499 = vector.extract_strided_slice %slice3A_13 {offsets = [1456, 0], sizes = [224, 64], strides = [1, 1]} : vector<2096x64xf32> to vector<224x64xf32>
    %dot_general3A_500 = arith.constant dense<0.000000e+00> : vector<208x224xf32>
    %dot_general3A_501 = tpu.matmul %slice3A_497, %slice3A_498, %dot_general3A_500 {dimension_numbers = #tpu.dot_dimension_numbers<[1], [1], [0], [0], [0, 0, 1, 0], [], []>, transpose_lhs_hint = false} : vector<208x64xf32>, vector<224x64xf32>, vector<208x224xf32> -> vector<208x224xf32>
    %mul3A_502 = arith.constant 1.250000e-01 : f32
    %mul3A_503 = vector.broadcast %mul3A_502 : f32 to vector<208x224xf32>
    %mul3A_504 = arith.mulf %dot_general3A_501, %mul3A_503 : vector<208x224xf32>
    %get3A_505 = arith.constant 0 : index
    %get3A_506 = arith.constant 0 : index
    %get3A_507 = arith.constant 0 : index
    %get3A_508 = vector.load %arg6[%get3A_505, %get3A_506, %get3A_507] : memref<1x2080x1xi32, #tpu.memory_space<vmem>>, vector<1x2080x1xi32>
    %get3A_509 = vector.shape_cast %get3A_508 : vector<1x2080x1xi32> to vector<2080x1xi32>
    %slice3A_510 = vector.extract_strided_slice %get3A_509 {offsets = [1456, 0], sizes = [208, 1], strides = [1, 1]} : vector<2080x1xi32> to vector<208x1xi32>
    %slice3A_511 = vector.extract_strided_slice %concatenate3A_24 {offsets = [0, 1456], sizes = [1, 224], strides = [1, 1]} : vector<1x2096xi32> to vector<1x224xi32>
    %eq3A_512 = vector.broadcast %slice3A_510 : vector<208x1xi32> to vector<208x224xi32>
    %eq3A_513 = vector.broadcast %slice3A_511 : vector<1x224xi32> to vector<208x224xi32>
    %eq3A_514 = arith.cmpi eq, %eq3A_512, %eq3A_513 : vector<208x224xi32>
    %jit3A_515 = arith.constant -5.000000e+04 : f32
    %broadcast_in_dim3A_516 = vector.broadcast %jit3A_515 : f32 to vector<208x224xf32>
    %select_n3A_517 = arith.select %eq3A_514, %broadcast_in_dim3A_516, %mul3A_504 : vector<208x224xi1>, vector<208x224xf32>
    %add3A_518 = arith.addf %select_n3A_517, %select_n3A_88 : vector<208x224xf32>
    %reduce_max3A_519 = arith.constant dense<0xFF800000> : vector<208xf32>
    %reduce_max3A_520 = vector.multi_reduction <maximumf>, %add3A_518, %reduce_max3A_519 [1] : vector<208x224xf32> to vector<208xf32>
    %broadcast_in_dim3A_521 = vector.shape_cast %reduce_max3A_520 : vector<208xf32> to vector<208x1xf32>
    %sub3A_522 = vector.broadcast %broadcast_in_dim3A_521 : vector<208x1xf32> to vector<208x224xf32>
    %sub3A_523 = arith.subf %add3A_518, %sub3A_522 : vector<208x224xf32>
    %exp3A_524 = math.exp %sub3A_523 : vector<208x224xf32>
    %reduce_sum3A_525 = arith.constant dense<0.000000e+00> : vector<208xf32>
    %reduce_sum3A_526 = vector.multi_reduction <add>, %exp3A_524, %reduce_sum3A_525 [1] : vector<208x224xf32> to vector<208xf32>
    %broadcast_in_dim3A_527 = vector.shape_cast %reduce_sum3A_526 : vector<208xf32> to vector<208x1xf32>
    %log3A_528 = math.log %broadcast_in_dim3A_527 : vector<208x1xf32>
    %add3A_529 = arith.addf %broadcast_in_dim3A_521, %log3A_528 : vector<208x1xf32>
    %div3A_530 = arith.constant 1.000000e+00 : f32
    %div3A_531 = vector.broadcast %div3A_530 : f32 to vector<208x1xf32>
    %div3A_532 = arith.divf %div3A_531, %broadcast_in_dim3A_527 : vector<208x1xf32>
    %mul3A_533 = arith.mulf %broadcast_in_dim3A_527, %div3A_532 : vector<208x1xf32>
    %sub3A_534 = arith.constant 2.000000e+00 : f32
    %sub3A_535 = vector.broadcast %sub3A_534 : f32 to vector<208x1xf32>
    %sub3A_536 = arith.subf %sub3A_535, %mul3A_533 : vector<208x1xf32>
    %mul3A_537 = arith.mulf %div3A_532, %sub3A_536 : vector<208x1xf32>
    %dot_general3A_538 = arith.constant dense<0.000000e+00> : vector<208x64xf32>
    %dot_general3A_539 = tpu.matmul %exp3A_524, %slice3A_499, %dot_general3A_538 {dimension_numbers = #tpu.dot_dimension_numbers<[1], [0], [0], [1], [0, 0, 1, 1], [], []>, transpose_lhs_hint = false} : vector<208x224xf32>, vector<224x64xf32>, vector<208x64xf32> -> vector<208x64xf32>
    %mul3A_540 = vector.broadcast %mul3A_537 : vector<208x1xf32> to vector<208x64xf32>
    %mul3A_541 = arith.mulf %dot_general3A_539, %mul3A_540 : vector<208x64xf32>
    %swap3A_542 = arith.constant 0 : index
    %swap3A_543 = arith.constant 1456 : index
    %swap3A_544 = arith.constant 0 : index
    %swap3A_545 = vector.load %arg7[%swap3A_542, %swap3A_543, %swap3A_544] : memref<1x2080x128xf32, #tpu.memory_space<vmem>>, vector<1x208x64xf32>
    %swap3A_546 = vector.shape_cast %swap3A_545 : vector<1x208x64xf32> to vector<208x64xf32>
    %swap3A_547 = vector.shape_cast %mul3A_541 : vector<208x64xf32> to vector<1x208x64xf32>
    tpu.vector_store %arg7[%swap3A_542, %swap3A_543, %swap3A_544], %swap3A_547 {strides = array<i32>} : memref<1x2080x128xf32, #tpu.memory_space<vmem>>, vector<1x208x64xf32>,
    %broadcast_in_dim3A_548 = vector.shape_cast %add3A_529 : vector<208x1xf32> to vector<208x1xf32>
    %broadcast_in_dim3A_549 = vector.broadcast %broadcast_in_dim3A_548 : vector<208x1xf32> to vector<208x64xf32>
    %swap3A_550 = arith.constant 0 : index
    %swap3A_551 = arith.constant 1456 : index
    %swap3A_552 = arith.constant 64 : index
    %swap3A_553 = vector.load %arg7[%swap3A_550, %swap3A_551, %swap3A_552] : memref<1x2080x128xf32, #tpu.memory_space<vmem>>, vector<1x208x64xf32>
    %swap3A_554 = vector.shape_cast %swap3A_553 : vector<1x208x64xf32> to vector<208x64xf32>
    %swap3A_555 = vector.shape_cast %broadcast_in_dim3A_549 : vector<208x64xf32> to vector<1x208x64xf32>
    tpu.vector_store %arg7[%swap3A_550, %swap3A_551, %swap3A_552], %swap3A_555 {strides = array<i32>} : memref<1x2080x128xf32, #tpu.memory_space<vmem>>, vector<1x208x64xf32>,
    %slice3A_556 = vector.extract_strided_slice %get3A_3 {offsets = [1664, 0], sizes = [208, 64], strides = [1, 1]} : vector<2080x128xf32> to vector<208x64xf32>
    %slice3A_557 = vector.extract_strided_slice %div3A_12 {offsets = [1664, 0], sizes = [224, 64], strides = [1, 1]} : vector<2096x64xf32> to vector<224x64xf32>
    %slice3A_558 = vector.extract_strided_slice %slice3A_13 {offsets = [1664, 0], sizes = [224, 64], strides = [1, 1]} : vector<2096x64xf32> to vector<224x64xf32>
    %dot_general3A_559 = arith.constant dense<0.000000e+00> : vector<208x224xf32>
    %dot_general3A_560 = tpu.matmul %slice3A_556, %slice3A_557, %dot_general3A_559 {dimension_numbers = #tpu.dot_dimension_numbers<[1], [1], [0], [0], [0, 0, 1, 0], [], []>, transpose_lhs_hint = false} : vector<208x64xf32>, vector<224x64xf32>, vector<208x224xf32> -> vector<208x224xf32>
    %mul3A_561 = arith.constant 1.250000e-01 : f32
    %mul3A_562 = vector.broadcast %mul3A_561 : f32 to vector<208x224xf32>
    %mul3A_563 = arith.mulf %dot_general3A_560, %mul3A_562 : vector<208x224xf32>
    %get3A_564 = arith.constant 0 : index
    %get3A_565 = arith.constant 0 : index
    %get3A_566 = arith.constant 0 : index
    %get3A_567 = vector.load %arg6[%get3A_564, %get3A_565, %get3A_566] : memref<1x2080x1xi32, #tpu.memory_space<vmem>>, vector<1x2080x1xi32>
    %get3A_568 = vector.shape_cast %get3A_567 : vector<1x2080x1xi32> to vector<2080x1xi32>
    %slice3A_569 = vector.extract_strided_slice %get3A_568 {offsets = [1664, 0], sizes = [208, 1], strides = [1, 1]} : vector<2080x1xi32> to vector<208x1xi32>
    %slice3A_570 = vector.extract_strided_slice %concatenate3A_24 {offsets = [0, 1664], sizes = [1, 224], strides = [1, 1]} : vector<1x2096xi32> to vector<1x224xi32>
    %eq3A_571 = vector.broadcast %slice3A_569 : vector<208x1xi32> to vector<208x224xi32>
    %eq3A_572 = vector.broadcast %slice3A_570 : vector<1x224xi32> to vector<208x224xi32>
    %eq3A_573 = arith.cmpi eq, %eq3A_571, %eq3A_572 : vector<208x224xi32>
    %jit3A_574 = arith.constant -5.000000e+04 : f32
    %broadcast_in_dim3A_575 = vector.broadcast %jit3A_574 : f32 to vector<208x224xf32>
    %select_n3A_576 = arith.select %eq3A_573, %broadcast_in_dim3A_575, %mul3A_563 : vector<208x224xi1>, vector<208x224xf32>
    %add3A_577 = arith.addf %select_n3A_576, %select_n3A_88 : vector<208x224xf32>
    %reduce_max3A_578 = arith.constant dense<0xFF800000> : vector<208xf32>
    %reduce_max3A_579 = vector.multi_reduction <maximumf>, %add3A_577, %reduce_max3A_578 [1] : vector<208x224xf32> to vector<208xf32>
    %broadcast_in_dim3A_580 = vector.shape_cast %reduce_max3A_579 : vector<208xf32> to vector<208x1xf32>
    %sub3A_581 = vector.broadcast %broadcast_in_dim3A_580 : vector<208x1xf32> to vector<208x224xf32>
    %sub3A_582 = arith.subf %add3A_577, %sub3A_581 : vector<208x224xf32>
    %exp3A_583 = math.exp %sub3A_582 : vector<208x224xf32>
    %reduce_sum3A_584 = arith.constant dense<0.000000e+00> : vector<208xf32>
    %reduce_sum3A_585 = vector.multi_reduction <add>, %exp3A_583, %reduce_sum3A_584 [1] : vector<208x224xf32> to vector<208xf32>
    %broadcast_in_dim3A_586 = vector.shape_cast %reduce_sum3A_585 : vector<208xf32> to vector<208x1xf32>
    %log3A_587 = math.log %broadcast_in_dim3A_586 : vector<208x1xf32>
    %add3A_588 = arith.addf %broadcast_in_dim3A_580, %log3A_587 : vector<208x1xf32>
    %div3A_589 = arith.constant 1.000000e+00 : f32
    %div3A_590 = vector.broadcast %div3A_589 : f32 to vector<208x1xf32>
    %div3A_591 = arith.divf %div3A_590, %broadcast_in_dim3A_586 : vector<208x1xf32>
    %mul3A_592 = arith.mulf %broadcast_in_dim3A_586, %div3A_591 : vector<208x1xf32>
    %sub3A_593 = arith.constant 2.000000e+00 : f32
    %sub3A_594 = vector.broadcast %sub3A_593 : f32 to vector<208x1xf32>
    %sub3A_595 = arith.subf %sub3A_594, %mul3A_592 : vector<208x1xf32>
    %mul3A_596 = arith.mulf %div3A_591, %sub3A_595 : vector<208x1xf32>
    %dot_general3A_597 = arith.constant dense<0.000000e+00> : vector<208x64xf32>
    %dot_general3A_598 = tpu.matmul %exp3A_583, %slice3A_558, %dot_general3A_597 {dimension_numbers = #tpu.dot_dimension_numbers<[1], [0], [0], [1], [0, 0, 1, 1], [], []>, transpose_lhs_hint = false} : vector<208x224xf32>, vector<224x64xf32>, vector<208x64xf32> -> vector<208x64xf32>
    %mul3A_599 = vector.broadcast %mul3A_596 : vector<208x1xf32> to vector<208x64xf32>
    %mul3A_600 = arith.mulf %dot_general3A_598, %mul3A_599 : vector<208x64xf32>
    %swap3A_601 = arith.constant 0 : index
    %swap3A_602 = arith.constant 1664 : index
    %swap3A_603 = arith.constant 0 : index
    %swap3A_604 = vector.load %arg7[%swap3A_601, %swap3A_602, %swap3A_603] : memref<1x2080x128xf32, #tpu.memory_space<vmem>>, vector<1x208x64xf32>
    %swap3A_605 = vector.shape_cast %swap3A_604 : vector<1x208x64xf32> to vector<208x64xf32>
    %swap3A_606 = vector.shape_cast %mul3A_600 : vector<208x64xf32> to vector<1x208x64xf32>
    tpu.vector_store %arg7[%swap3A_601, %swap3A_602, %swap3A_603], %swap3A_606 {strides = array<i32>} : memref<1x2080x128xf32, #tpu.memory_space<vmem>>, vector<1x208x64xf32>,
    %broadcast_in_dim3A_607 = vector.shape_cast %add3A_588 : vector<208x1xf32> to vector<208x1xf32>
    %broadcast_in_dim3A_608 = vector.broadcast %broadcast_in_dim3A_607 : vector<208x1xf32> to vector<208x64xf32>
    %swap3A_609 = arith.constant 0 : index
    %swap3A_610 = arith.constant 1664 : index
    %swap3A_611 = arith.constant 64 : index
    %swap3A_612 = vector.load %arg7[%swap3A_609, %swap3A_610, %swap3A_611] : memref<1x2080x128xf32, #tpu.memory_space<vmem>>, vector<1x208x64xf32>
    %swap3A_613 = vector.shape_cast %swap3A_612 : vector<1x208x64xf32> to vector<208x64xf32>
    %swap3A_614 = vector.shape_cast %broadcast_in_dim3A_608 : vector<208x64xf32> to vector<1x208x64xf32>
    tpu.vector_store %arg7[%swap3A_609, %swap3A_610, %swap3A_611], %swap3A_614 {strides = array<i32>} : memref<1x2080x128xf32, #tpu.memory_space<vmem>>, vector<1x208x64xf32>,
    %slice3A_615 = vector.extract_strided_slice %get3A_3 {offsets = [1872, 0], sizes = [208, 64], strides = [1, 1]} : vector<2080x128xf32> to vector<208x64xf32>
    %slice3A_616 = vector.extract_strided_slice %div3A_12 {offsets = [1872, 0], sizes = [224, 64], strides = [1, 1]} : vector<2096x64xf32> to vector<224x64xf32>
    %slice3A_617 = vector.extract_strided_slice %slice3A_13 {offsets = [1872, 0], sizes = [224, 64], strides = [1, 1]} : vector<2096x64xf32> to vector<224x64xf32>
    %dot_general3A_618 = arith.constant dense<0.000000e+00> : vector<208x224xf32>
    %dot_general3A_619 = tpu.matmul %slice3A_615, %slice3A_616, %dot_general3A_618 {dimension_numbers = #tpu.dot_dimension_numbers<[1], [1], [0], [0], [0, 0, 1, 0], [], []>, transpose_lhs_hint = false} : vector<208x64xf32>, vector<224x64xf32>, vector<208x224xf32> -> vector<208x224xf32>
    %mul3A_620 = arith.constant 1.250000e-01 : f32
    %mul3A_621 = vector.broadcast %mul3A_620 : f32 to vector<208x224xf32>
    %mul3A_622 = arith.mulf %dot_general3A_619, %mul3A_621 : vector<208x224xf32>
    %get3A_623 = arith.constant 0 : index
    %get3A_624 = arith.constant 0 : index
    %get3A_625 = arith.constant 0 : index
    %get3A_626 = vector.load %arg6[%get3A_623, %get3A_624, %get3A_625] : memref<1x2080x1xi32, #tpu.memory_space<vmem>>, vector<1x2080x1xi32>
    %get3A_627 = vector.shape_cast %get3A_626 : vector<1x2080x1xi32> to vector<2080x1xi32>
    %slice3A_628 = vector.extract_strided_slice %get3A_627 {offsets = [1872, 0], sizes = [208, 1], strides = [1, 1]} : vector<2080x1xi32> to vector<208x1xi32>
    %slice3A_629 = vector.extract_strided_slice %concatenate3A_24 {offsets = [0, 1872], sizes = [1, 224], strides = [1, 1]} : vector<1x2096xi32> to vector<1x224xi32>
    %eq3A_630 = vector.broadcast %slice3A_628 : vector<208x1xi32> to vector<208x224xi32>
    %eq3A_631 = vector.broadcast %slice3A_629 : vector<1x224xi32> to vector<208x224xi32>
    %eq3A_632 = arith.cmpi eq, %eq3A_630, %eq3A_631 : vector<208x224xi32>
    %jit3A_633 = arith.constant -5.000000e+04 : f32
    %broadcast_in_dim3A_634 = vector.broadcast %jit3A_633 : f32 to vector<208x224xf32>
    %select_n3A_635 = arith.select %eq3A_632, %broadcast_in_dim3A_634, %mul3A_622 : vector<208x224xi1>, vector<208x224xf32>
    %add3A_636 = arith.addf %select_n3A_635, %select_n3A_88 : vector<208x224xf32>
    %reduce_max3A_637 = arith.constant dense<0xFF800000> : vector<208xf32>
    %reduce_max3A_638 = vector.multi_reduction <maximumf>, %add3A_636, %reduce_max3A_637 [1] : vector<208x224xf32> to vector<208xf32>
    %broadcast_in_dim3A_639 = vector.shape_cast %reduce_max3A_638 : vector<208xf32> to vector<208x1xf32>
    %sub3A_640 = vector.broadcast %broadcast_in_dim3A_639 : vector<208x1xf32> to vector<208x224xf32>
    %sub3A_641 = arith.subf %add3A_636, %sub3A_640 : vector<208x224xf32>
    %exp3A_642 = math.exp %sub3A_641 : vector<208x224xf32>
    %reduce_sum3A_643 = arith.constant dense<0.000000e+00> : vector<208xf32>
    %reduce_sum3A_644 = vector.multi_reduction <add>, %exp3A_642, %reduce_sum3A_643 [1] : vector<208x224xf32> to vector<208xf32>
    %broadcast_in_dim3A_645 = vector.shape_cast %reduce_sum3A_644 : vector<208xf32> to vector<208x1xf32>
    %log3A_646 = math.log %broadcast_in_dim3A_645 : vector<208x1xf32>
    %add3A_647 = arith.addf %broadcast_in_dim3A_639, %log3A_646 : vector<208x1xf32>
    %div3A_648 = arith.constant 1.000000e+00 : f32
    %div3A_649 = vector.broadcast %div3A_648 : f32 to vector<208x1xf32>
    %div3A_650 = arith.divf %div3A_649, %broadcast_in_dim3A_645 : vector<208x1xf32>
    %mul3A_651 = arith.mulf %broadcast_in_dim3A_645, %div3A_650 : vector<208x1xf32>
    %sub3A_652 = arith.constant 2.000000e+00 : f32
    %sub3A_653 = vector.broadcast %sub3A_652 : f32 to vector<208x1xf32>
    %sub3A_654 = arith.subf %sub3A_653, %mul3A_651 : vector<208x1xf32>
    %mul3A_655 = arith.mulf %div3A_650, %sub3A_654 : vector<208x1xf32>
    %dot_general3A_656 = arith.constant dense<0.000000e+00> : vector<208x64xf32>
    %dot_general3A_657 = tpu.matmul %exp3A_642, %slice3A_617, %dot_general3A_656 {dimension_numbers = #tpu.dot_dimension_numbers<[1], [0], [0], [1], [0, 0, 1, 1], [], []>, transpose_lhs_hint = false} : vector<208x224xf32>, vector<224x64xf32>, vector<208x64xf32> -> vector<208x64xf32>
    %mul3A_658 = vector.broadcast %mul3A_655 : vector<208x1xf32> to vector<208x64xf32>
    %mul3A_659 = arith.mulf %dot_general3A_657, %mul3A_658 : vector<208x64xf32>
    %swap3A_660 = arith.constant 0 : index
    %swap3A_661 = arith.constant 1872 : index
    %swap3A_662 = arith.constant 0 : index
    %swap3A_663 = vector.load %arg7[%swap3A_660, %swap3A_661, %swap3A_662] : memref<1x2080x128xf32, #tpu.memory_space<vmem>>, vector<1x208x64xf32>
    %swap3A_664 = vector.shape_cast %swap3A_663 : vector<1x208x64xf32> to vector<208x64xf32>
    %swap3A_665 = vector.shape_cast %mul3A_659 : vector<208x64xf32> to vector<1x208x64xf32>
    tpu.vector_store %arg7[%swap3A_660, %swap3A_661, %swap3A_662], %swap3A_665 {strides = array<i32>} : memref<1x2080x128xf32, #tpu.memory_space<vmem>>, vector<1x208x64xf32>,
    %broadcast_in_dim3A_666 = vector.shape_cast %add3A_647 : vector<208x1xf32> to vector<208x1xf32>
    %broadcast_in_dim3A_667 = vector.broadcast %broadcast_in_dim3A_666 : vector<208x1xf32> to vector<208x64xf32>
    %swap3A_668 = arith.constant 0 : index
    %swap3A_669 = arith.constant 1872 : index
    %swap3A_670 = arith.constant 64 : index
    %swap3A_671 = vector.load %arg7[%swap3A_668, %swap3A_669, %swap3A_670] : memref<1x2080x128xf32, #tpu.memory_space<vmem>>, vector<1x208x64xf32>
    %swap3A_672 = vector.shape_cast %swap3A_671 : vector<1x208x64xf32> to vector<208x64xf32>
    %swap3A_673 = vector.shape_cast %broadcast_in_dim3A_667 : vector<208x64xf32> to vector<1x208x64xf32>
    tpu.vector_store %arg7[%swap3A_668, %swap3A_669, %swap3A_670], %swap3A_673 {strides = array<i32>} : memref<1x2080x128xf32, #tpu.memory_space<vmem>>, vector<1x208x64xf32>,
    return
  }
  func.func @transform_0(%arg0: i32, %arg1: i32) -> (i32, i32, i32) {
    %mul3A = arith.constant 4 : i32
    %mul3A_0 = arith.muli %arg0, %mul3A : i32
    %add3A = arith.addi %mul3A_0, %arg1 : i32
    %c0_i32 = arith.constant 0 : i32
    %c0_i32_1 = arith.constant 0 : i32
    %c0_i32_2 = arith.constant 0 : i32
    return %add3A, %c0_i32, %c0_i32_1 : i32, i32, i32
  }
  func.func @transform_1(%arg0: i32, %arg1: i32) -> (i32, i32, i32) {
    %mul3A = arith.constant 4 : i32
    %mul3A_0 = arith.muli %arg0, %mul3A : i32
    %add3A = arith.constant 4 : i32
    %add3A_1 = arith.addi %arg1, %add3A : i32
    %sub3A = arith.constant 1 : i32
    %sub3A_2 = arith.subi %add3A_1, %sub3A : i32
    %jit3A = arith.constant 4 : i32
    %eq3A = arith.constant 0 : i32
    %eq3A_3 = arith.cmpi eq, %jit3A, %eq3A : i32
    %jit3A_4 = arith.constant 1 : i32
    %select_n3A = arith.select %eq3A_3, %jit3A_4, %jit3A : i32
    %rem3A = arith.remsi %sub3A_2, %select_n3A : i32
    %ne3A = arith.constant 0 : i32
    %ne3A_5 = arith.cmpi ne, %rem3A, %ne3A : i32
    %lt3A = arith.constant 0 : i32
    %lt3A_6 = arith.cmpi slt, %rem3A, %lt3A : i32
    %lt3A_7 = arith.constant 0 : i32
    %lt3A_8 = arith.cmpi slt, %select_n3A, %lt3A_7 : i32
    %ne3A_9 = arith.xori %lt3A_6, %lt3A_8 : i1
    %and3A = arith.andi %ne3A_9, %ne3A_5 : i1
    %add3A_10 = arith.addi %rem3A, %select_n3A : i32
    %select_n3A_11 = arith.select %and3A, %add3A_10, %rem3A : i32
    %add3A_12 = arith.addi %mul3A_0, %select_n3A_11 : i32
    %c0_i32 = arith.constant 0 : i32
    %c0_i32_13 = arith.constant 0 : i32
    %c0_i32_14 = arith.constant 0 : i32
    return %add3A_12, %c0_i32, %c0_i32_13 : i32, i32, i32
  }
  func.func @transform_2(%arg0: i32, %arg1: i32) -> (i32, i32, i32) {
    %mul3A = arith.constant 4 : i32
    %mul3A_0 = arith.muli %arg0, %mul3A : i32
    %add3A = arith.addi %mul3A_0, %arg1 : i32
    %c0_i32 = arith.constant 0 : i32
    %c0_i32_1 = arith.constant 0 : i32
    %c0_i32_2 = arith.constant 0 : i32
    return %add3A, %c0_i32, %c0_i32_1 : i32, i32, i32
  }
  func.func @transform_3(%arg0: i32, %arg1: i32) -> (i32, i32, i32) {
    %mul3A = arith.constant 4 : i32
    %mul3A_0 = arith.muli %arg0, %mul3A : i32
    %add3A = arith.constant 4 : i32
    %add3A_1 = arith.addi %arg1, %add3A : i32
    %sub3A = arith.constant 1 : i32
    %sub3A_2 = arith.subi %add3A_1, %sub3A : i32
    %jit3A = arith.constant 4 : i32
    %eq3A = arith.constant 0 : i32
    %eq3A_3 = arith.cmpi eq, %jit3A, %eq3A : i32
    %jit3A_4 = arith.constant 1 : i32
    %select_n3A = arith.select %eq3A_3, %jit3A_4, %jit3A : i32
    %rem3A = arith.remsi %sub3A_2, %select_n3A : i32
    %ne3A = arith.constant 0 : i32
    %ne3A_5 = arith.cmpi ne, %rem3A, %ne3A : i32
    %lt3A = arith.constant 0 : i32
    %lt3A_6 = arith.cmpi slt, %rem3A, %lt3A : i32
    %lt3A_7 = arith.constant 0 : i32
    %lt3A_8 = arith.cmpi slt, %select_n3A, %lt3A_7 : i32
    %ne3A_9 = arith.xori %lt3A_6, %lt3A_8 : i1
    %and3A = arith.andi %ne3A_9, %ne3A_5 : i1
    %add3A_10 = arith.addi %rem3A, %select_n3A : i32
    %select_n3A_11 = arith.select %and3A, %add3A_10, %rem3A : i32
    %add3A_12 = arith.addi %mul3A_0, %select_n3A_11 : i32
    %c0_i32 = arith.constant 0 : i32
    %c0_i32_13 = arith.constant 0 : i32
    %c0_i32_14 = arith.constant 0 : i32
    return %add3A_12, %c0_i32, %c0_i32_13 : i32, i32, i32
  }
  func.func @transform_4(%arg0: i32, %arg1: i32) -> (i32, i32, i32) {
    %mul3A = arith.constant 4 : i32
    %mul3A_0 = arith.muli %arg0, %mul3A : i32
    %add3A = arith.addi %mul3A_0, %arg1 : i32
    %c0_i32 = arith.constant 0 : i32
    %c0_i32_1 = arith.constant 0 : i32
    %c0_i32_2 = arith.constant 0 : i32
    return %add3A, %c0_i32, %c0_i32_1 : i32, i32, i32
  }
  func.func @transform_5(%arg0: i32, %arg1: i32) -> (i32, i32, i32) {
    %mul3A = arith.constant 4 : i32
    %mul3A_0 = arith.muli %arg0, %mul3A : i32
    %add3A = arith.addi %mul3A_0, %arg1 : i32
    %c0_i32 = arith.constant 0 : i32
    %c0_i32_1 = arith.constant 0 : i32
    %c0_i32_2 = arith.constant 0 : i32
    return %add3A, %c0_i32, %c0_i32_1 : i32, i32, i32
  }
}

module attributes {stable_mosaic.version = 14 : i64} {
  func.func @_combine_kernel(%arg0: i32, %arg1: memref<1x4x2080x128xf32, #tpu.memory_space<vmem>>, %arg2: memref<1x2080x64xf32, #tpu.memory_space<vmem>>) attributes {dimension_semantics = [#tpu.dimension_semantics<arbitrary>], iteration_bounds = array<i64: 32>, scalar_prefetch = 0 : i64, scratch_operands = 0 : i64, tpu.core_type = #tpu.core_type<tc>, window_params = [{transform_indices = @transform_0, window_bounds = array<i64: 1, 4, 2080, 128>}, {transform_indices = @transform_1, window_bounds = array<i64: 1, 2080, 64>}]} {
    %get3A = arith.constant 0 : index
    %get3A_0 = arith.constant 0 : index
    %get3A_1 = arith.constant 0 : index
    %get3A_2 = arith.constant 64 : index
    %get3A_3 = vector.load %arg1[%get3A, %get3A_0, %get3A_1, %get3A_2] : memref<1x4x2080x128xf32, #tpu.memory_space<vmem>>, vector<1x1x2080x1xf32>
    %get3A_4 = vector.shape_cast %get3A_3 : vector<1x1x2080x1xf32> to vector<2080x1xf32>
    %get3A_5 = arith.constant 0 : index
    %get3A_6 = arith.constant 1 : index
    %get3A_7 = arith.constant 0 : index
    %get3A_8 = arith.constant 64 : index
    %get3A_9 = vector.load %arg1[%get3A_5, %get3A_6, %get3A_7, %get3A_8] : memref<1x4x2080x128xf32, #tpu.memory_space<vmem>>, vector<1x1x2080x1xf32>
    %get3A_10 = vector.shape_cast %get3A_9 : vector<1x1x2080x1xf32> to vector<2080x1xf32>
    %get3A_11 = arith.constant 0 : index
    %get3A_12 = arith.constant 2 : index
    %get3A_13 = arith.constant 0 : index
    %get3A_14 = arith.constant 64 : index
    %get3A_15 = vector.load %arg1[%get3A_11, %get3A_12, %get3A_13, %get3A_14] : memref<1x4x2080x128xf32, #tpu.memory_space<vmem>>, vector<1x1x2080x1xf32>
    %get3A_16 = vector.shape_cast %get3A_15 : vector<1x1x2080x1xf32> to vector<2080x1xf32>
    %get3A_17 = arith.constant 0 : index
    %get3A_18 = arith.constant 3 : index
    %get3A_19 = arith.constant 0 : index
    %get3A_20 = arith.constant 64 : index
    %get3A_21 = vector.load %arg1[%get3A_17, %get3A_18, %get3A_19, %get3A_20] : memref<1x4x2080x128xf32, #tpu.memory_space<vmem>>, vector<1x1x2080x1xf32>
    %get3A_22 = vector.shape_cast %get3A_21 : vector<1x1x2080x1xf32> to vector<2080x1xf32>
    %concatenate3A = tpu.concatenate %get3A_4, %get3A_10, %get3A_16, %get3A_22 in 1 : vector<2080x1xf32>, vector<2080x1xf32>, vector<2080x1xf32>, vector<2080x1xf32> -> vector<2080x4xf32>
    %reduce_max3A = arith.constant dense<0xFF800000> : vector<2080xf32>
    %reduce_max3A_23 = vector.multi_reduction <maximumf>, %concatenate3A, %reduce_max3A [1] : vector<2080x4xf32> to vector<2080xf32>
    %broadcast_in_dim3A = vector.shape_cast %reduce_max3A_23 : vector<2080xf32> to vector<2080x1xf32>
    %sub3A = vector.broadcast %broadcast_in_dim3A : vector<2080x1xf32> to vector<2080x4xf32>
    %sub3A_24 = arith.subf %concatenate3A, %sub3A : vector<2080x4xf32>
    %exp3A = math.exp %sub3A_24 : vector<2080x4xf32>
    %reduce_sum3A = arith.constant dense<0.000000e+00> : vector<2080xf32>
    %reduce_sum3A_25 = vector.multi_reduction <add>, %exp3A, %reduce_sum3A [1] : vector<2080x4xf32> to vector<2080xf32>
    %broadcast_in_dim3A_26 = vector.shape_cast %reduce_sum3A_25 : vector<2080xf32> to vector<2080x1xf32>
    %sub3A_27 = vector.broadcast %broadcast_in_dim3A : vector<2080x1xf32> to vector<2080x4xf32>
    %sub3A_28 = arith.subf %concatenate3A, %sub3A_27 : vector<2080x4xf32>
    %log3A = math.log %broadcast_in_dim3A_26 : vector<2080x1xf32>
    %sub3A_29 = vector.broadcast %log3A : vector<2080x1xf32> to vector<2080x4xf32>
    %sub3A_30 = arith.subf %sub3A_28, %sub3A_29 : vector<2080x4xf32>
    %exp3A_31 = math.exp %sub3A_30 : vector<2080x4xf32>
    %get3A_32 = arith.constant 0 : index
    %get3A_33 = arith.constant 0 : index
    %get3A_34 = arith.constant 0 : index
    %get3A_35 = arith.constant 0 : index
    %get3A_36 = vector.load %arg1[%get3A_32, %get3A_33, %get3A_34, %get3A_35] : memref<1x4x2080x128xf32, #tpu.memory_space<vmem>>, vector<1x1x2080x64xf32>
    %get3A_37 = vector.shape_cast %get3A_36 : vector<1x1x2080x64xf32> to vector<2080x64xf32>
    %slice3A = vector.extract_strided_slice %exp3A_31 {offsets = [0, 0], sizes = [2080, 1], strides = [1, 1]} : vector<2080x4xf32> to vector<2080x1xf32>
    %mul3A = vector.broadcast %slice3A : vector<2080x1xf32> to vector<2080x64xf32>
    %mul3A_38 = arith.mulf %get3A_37, %mul3A : vector<2080x64xf32>
    %get3A_39 = arith.constant 0 : index
    %get3A_40 = arith.constant 1 : index
    %get3A_41 = arith.constant 0 : index
    %get3A_42 = arith.constant 0 : index
    %get3A_43 = vector.load %arg1[%get3A_39, %get3A_40, %get3A_41, %get3A_42] : memref<1x4x2080x128xf32, #tpu.memory_space<vmem>>, vector<1x1x2080x64xf32>
    %get3A_44 = vector.shape_cast %get3A_43 : vector<1x1x2080x64xf32> to vector<2080x64xf32>
    %slice3A_45 = vector.extract_strided_slice %exp3A_31 {offsets = [0, 1], sizes = [2080, 1], strides = [1, 1]} : vector<2080x4xf32> to vector<2080x1xf32>
    %mul3A_46 = vector.broadcast %slice3A_45 : vector<2080x1xf32> to vector<2080x64xf32>
    %mul3A_47 = arith.mulf %get3A_44, %mul3A_46 : vector<2080x64xf32>
    %add3A = arith.addf %mul3A_38, %mul3A_47 : vector<2080x64xf32>
    %get3A_48 = arith.constant 0 : index
    %get3A_49 = arith.constant 2 : index
    %get3A_50 = arith.constant 0 : index
    %get3A_51 = arith.constant 0 : index
    %get3A_52 = vector.load %arg1[%get3A_48, %get3A_49, %get3A_50, %get3A_51] : memref<1x4x2080x128xf32, #tpu.memory_space<vmem>>, vector<1x1x2080x64xf32>
    %get3A_53 = vector.shape_cast %get3A_52 : vector<1x1x2080x64xf32> to vector<2080x64xf32>
    %slice3A_54 = vector.extract_strided_slice %exp3A_31 {offsets = [0, 2], sizes = [2080, 1], strides = [1, 1]} : vector<2080x4xf32> to vector<2080x1xf32>
    %mul3A_55 = vector.broadcast %slice3A_54 : vector<2080x1xf32> to vector<2080x64xf32>
    %mul3A_56 = arith.mulf %get3A_53, %mul3A_55 : vector<2080x64xf32>
    %add3A_57 = arith.addf %add3A, %mul3A_56 : vector<2080x64xf32>
    %get3A_58 = arith.constant 0 : index
    %get3A_59 = arith.constant 3 : index
    %get3A_60 = arith.constant 0 : index
    %get3A_61 = arith.constant 0 : index
    %get3A_62 = vector.load %arg1[%get3A_58, %get3A_59, %get3A_60, %get3A_61] : memref<1x4x2080x128xf32, #tpu.memory_space<vmem>>, vector<1x1x2080x64xf32>
    %get3A_63 = vector.shape_cast %get3A_62 : vector<1x1x2080x64xf32> to vector<2080x64xf32>
    %slice3A_64 = vector.extract_strided_slice %exp3A_31 {offsets = [0, 3], sizes = [2080, 1], strides = [1, 1]} : vector<2080x4xf32> to vector<2080x1xf32>
    %mul3A_65 = vector.broadcast %slice3A_64 : vector<2080x1xf32> to vector<2080x64xf32>
    %mul3A_66 = arith.mulf %get3A_63, %mul3A_65 : vector<2080x64xf32>
    %add3A_67 = arith.addf %add3A_57, %mul3A_66 : vector<2080x64xf32>
    %swap3A = arith.constant 0 : index
    %swap3A_68 = arith.constant 0 : index
    %swap3A_69 = arith.constant 0 : index
    %swap3A_70 = vector.load %arg2[%swap3A, %swap3A_68, %swap3A_69] : memref<1x2080x64xf32, #tpu.memory_space<vmem>>, vector<1x2080x64xf32>
    %swap3A_71 = vector.shape_cast %swap3A_70 : vector<1x2080x64xf32> to vector<2080x64xf32>
    %swap3A_72 = vector.shape_cast %add3A_67 : vector<2080x64xf32> to vector<1x2080x64xf32>
    tpu.vector_store %arg2[%swap3A, %swap3A_68, %swap3A_69], %swap3A_72 {strides = array<i32>} : memref<1x2080x64xf32, #tpu.memory_space<vmem>>, vector<1x2080x64xf32>,
    return
  }
  func.func @transform_0(%arg0: i32) -> (i32, i32, i32, i32) {
    %c0_i32 = arith.constant 0 : i32
    %c0_i32_0 = arith.constant 0 : i32
    %c0_i32_1 = arith.constant 0 : i32
    %c0_i32_2 = arith.constant 0 : i32
    return %arg0, %c0_i32, %c0_i32_0, %c0_i32_1 : i32, i32, i32, i32
  }
  func.func @transform_1(%arg0: i32) -> (i32, i32, i32) {
    %c0_i32 = arith.constant 0 : i32
    %c0_i32_0 = arith.constant 0 : i32
    %c0_i32_1 = arith.constant 0 : i32
    return %arg0, %c0_i32, %c0_i32_0 : i32, i32, i32
  }
}

module attributes {stable_mosaic.version = 14 : i64} {
  func.func @_mm_t_kernel(%arg0: i32, %arg1: memref<520x1024xf32, #tpu.memory_space<vmem>>, %arg2: memref<1024x1024xf32, #tpu.memory_space<vmem>>, %arg3: memref<520x1024xf32, #tpu.memory_space<vmem>>) attributes {dimension_semantics = [#tpu.dimension_semantics<arbitrary>], iteration_bounds = array<i64: 8>, scalar_prefetch = 0 : i64, scratch_operands = 0 : i64, tpu.core_type = #tpu.core_type<tc>, window_params = [{transform_indices = @transform_0, window_bounds = array<i64: 520, 1024>}, {pipeline_mode = #tpu.pipeline_mode<synchronous>, transform_indices = @transform_1, window_bounds = array<i64: 1024, 1024>}, {transform_indices = @transform_2, window_bounds = array<i64: 520, 1024>}]} {
    %get3A = arith.constant 0 : index
    %get3A_0 = arith.constant 0 : index
    %get3A_1 = vector.load %arg1[%get3A, %get3A_0] : memref<520x1024xf32, #tpu.memory_space<vmem>>, vector<520x1024xf32>
    %get3A_2 = arith.constant 0 : index
    %get3A_3 = arith.constant 0 : index
    %get3A_4 = vector.load %arg2[%get3A_2, %get3A_3] : memref<1024x1024xf32, #tpu.memory_space<vmem>>, vector<1024x1024xf32>
    %dot_general3A = arith.constant dense<0.000000e+00> : vector<520x1024xf32>
    %dot_general3A_5 = tpu.matmul %get3A_1, %get3A_4, %dot_general3A {dimension_numbers = #tpu.dot_dimension_numbers<[1], [1], [0], [0], [0, 0, 1, 0], [], []>, transpose_lhs_hint = false} : vector<520x1024xf32>, vector<1024x1024xf32>, vector<520x1024xf32> -> vector<520x1024xf32>
    %swap3A = arith.constant 0 : index
    %swap3A_6 = arith.constant 0 : index
    %swap3A_7 = vector.load %arg3[%swap3A, %swap3A_6] : memref<520x1024xf32, #tpu.memory_space<vmem>>, vector<520x1024xf32>
    tpu.vector_store %arg3[%swap3A, %swap3A_6], %dot_general3A_5 {strides = array<i32>} : memref<520x1024xf32, #tpu.memory_space<vmem>>, vector<520x1024xf32>,
    return
  }
  func.func @transform_0(%arg0: i32) -> (i32, i32) {
    %c0_i32 = arith.constant 0 : i32
    %c0_i32_0 = arith.constant 0 : i32
    return %arg0, %c0_i32 : i32, i32
  }
  func.func @transform_1(%arg0: i32) -> (i32, i32) {
    %c0_i32 = arith.constant 0 : i32
    %c0_i32_0 = arith.constant 0 : i32
    %c0_i32_1 = arith.constant 0 : i32
    return %c0_i32, %c0_i32_0 : i32, i32
  }
  func.func @transform_2(%arg0: i32) -> (i32, i32) {
    %c0_i32 = arith.constant 0 : i32
    %c0_i32_0 = arith.constant 0 : i32
    return %arg0, %c0_i32 : i32, i32
  }
}

</mosaic_0001>

<sc_bundles>
// kernel: kernel.12.cloned.1.call-start
scs
__scs_entry_jumppad:
0x0: {  	(pc) =	sbr.rel $0x88, $3  }
0x1: {  	(tag) =	ssettag $0x0;
	lr =	simm.s32 $0x1  }
0x2: {  	[smem:$0x3F9C] =	sst lr;
	_ =	strace $0xD0000000  }
0x3: {  	_ = 	snop  }
0x4: {  	_ = 	snop  }
0x5: {  	_ = 	snop  }
0x6: {  	_ = 	snop  }
0x7: {  	_ = 	snop  }
__scs_overlays_trampoline_lowered:
0x8: {  	[smem:$0x3FAB] =	sst s0  }
0x9: {  	[smem:$0x3FAC] =	sst s1  }
0xa: {  	[smem:$0x3FAD] =	sst s2  }
0xb: {  	[smem:$0x3FAE] =	sst s3  }
0xc: {  	[smem:$0x3FAF] =	sst s4  }
0xd: {  	[smem:$0x3FB0] =	sst s5  }
0xe: {  	[smem:$0x3FB1] =	sst s6  }
0xf: {  	[smem:$0x3FB2] =	sst s7  }
0x10: {  	[smem:$0x3FB3] =	sst s8  }
0x11: {  	[smem:$0x3FB4] =	sst s9;
	s0 =	simm.s32 @!p0 $0x0  }
0x12: {  	s1 =	sld [smem:$0x3F9A];
	s0 =	simm.s32 @p0 $0x1  }
0x13: {  	[smem:$0x3FB5] =	sst s0;
	s0 =	simm.s32 @!p1 $0x0  }
0x14: {  	s2 =	sld [smem:$0x3F99];
	s0 =	simm.s32 @p1 $0x1  }
0x15: {  	[smem:$0x3FB6] =	sst s0;
	s0 =	simm.s32 @!p2 $0x0  }
0x16: {  	s3 =	sld [smem:$0x3FDB];
	s0 =	simm.s32 @p2 $0x1  }
0x17: {  	s4 =	simm.s32 $0x1BF5;
	[smem:$0x3FB8] =	sst s0  }
0x18: {  	s0 =	sld [smem:$0x3F9B];
	_ =	swait.ge [sflag:s4], $0x0  }
0x19: {  	s7 =	sld [smem:$0x3F9C]  }
0x1a: {  	s8 =	sadd.s32 $0xFFFFE003, lr  }
0x1b: {  	s9 =	sadd.s32 $0xFFFFFEF7, lr;
	s5 =	simm.s32 $0xFFFFFFFF;
	p2 =	slt.u32 s8, $0xFFFFF086  }
0x1c: {  	p1 =	slt.u32 s9, $0xF7A;
	s5 =	simm.s32 @!p2 $0x0  }
0x1d: {  	s5 =	simm.s32 @p1 $0x1;
	p0 =	seq.s32 s7, s2  }
0x1e: {  	s7 =	smul.u32 @!p0 $0xF7A, s2;
	p2 =	seq.s32 @!p0 s5, $0x0  }
0x1f: {  	s9 =	smul.u32 $0xF7A, s1;
	s8 =	simm.s32 @!p0 $0x1BF5;
	p2 =	por !p2, p0  }
0x20: {  	[sflag:s8] =	ssyncset.s32 @!p0 $0xFFFFF086;
	s6 =	sadd.s32 @!p0 s3, s7;
	s7 =	simm.s32 @!p0 $0x108  }
0x21: {  	s3 =	sadd.s32 s3, s9;
	s6 =	sadd.s32 @!p0 $0x88, s6;
	s7 =	simm.s32 @p2 $0x1082  }
0x22: {  	[simem:s7], [sflag:s8] =	dma.local @!p0 [hbm:s6], $0xF7A  }
0x23: {  	s9 =	sor.u32 $0xD0000000, s2;
	s6 =	simm.s32 $0x108;
	_ =	swait.ge @!p0 [sflag:s8], $0x0  }
0x24: {  	s3 =	sadd.s32 $0x88, s3;
	s6 =	simm.s32 @!p1 $0x1082;
	[sflag:s4] =	ssyncset.s32 $0xFFFFF086  }
0x25: {  	[simem:s6], [sflag:s4] =	dma.local [hbm:s3], $0xF7A  }
0x26: {  	[smem:$0x3F9C] =	sst s1;
	(tag) =	ssettag s2;
	_ =	strace s9  }
0x27: {  	s1 =	sld [smem:$0x3FAC]  }
0x28: {  	s2 =	sld [smem:$0x3FAD]  }
0x29: {  	s4 =	sld [smem:$0x3FAF]  }
0x2a: {  	p0 =	seq.s32 s5, $0x0;
	s5 =	sld [smem:$0x3FB0]  }
0x2b: {  	s6 =	sld [smem:$0x3FB1]  }
0x2c: {  	s7 =	sld [smem:$0x3FB2]  }
0x2d: {  	s3 =	simm.s32 $0x108;
	s8 =	sld [smem:$0x3FB3]  }
0x2e: {  	s3 =	simm.s32 @!p0 $0x1082;
	s9 =	sld [smem:$0x3FB4]  }
0x2f: {  	lr =	sadd.s32 s0, s3;
	s0 =	sld [smem:$0x3FAB]  }
0x30: {  	s3 =	sld [smem:$0x3FAE]  }
0x31: {  	[smem:$0x3FB7] =	sst s10  }
0x32: {  	s10 =	sld [smem:$0x3FB5];
	_ =	sdelay $0x3  }
0x33: {  	p0 =	seq.s32 s10, $0x1;
	s10 =	sld [smem:$0x3FB7];
	_ =	sdelay $0x3  }
0x34: {  	[smem:$0x3FB7] =	sst s10  }
0x35: {  	s10 =	sld [smem:$0x3FB6];
	_ =	sdelay $0x3  }
0x36: {  	p1 =	seq.s32 s10, $0x1;
	s10 =	sld [smem:$0x3FB7];
	_ =	sdelay $0x3  }
0x37: {  	[smem:$0x3FB7] =	sst s10  }
0x38: {  	s10 =	sld [smem:$0x3FB8]  }
0x39: {  	_ = 	snop;
	(pc) =	sbr.ind lr, $3  }
0x3a: {  	_ = 	snop  }
0x3b: {  	_ = 	snop  }
0x3c: {  	p2 =	seq.s32 s10, $0x1;
	s10 =	sld [smem:$0x3FB7]  }
0x3d: {  	_ =	shalt  }
0x3e: {  	_ =	shalt  }
0x3f: {  	_ =	shalt  }
0x40: {  	_ =	shalt  }
0x41: {  	_ =	shalt  }
0x42: {  	_ =	shalt  }
0x43: {  	_ =	shalt  }
0x44: {  	_ =	shalt  }
0x45: {  	_ =	shalt  }
0x46: {  	_ =	shalt  }
0x47: {  	_ =	shalt  }
0x48: {  	_ =	shalt  }
0x49: {  	_ =	shalt  }
0x4a: {  	_ =	shalt  }
0x4b: {  	_ =	shalt  }
0x4c: {  	_ =	shalt  }
0x4d: {  	_ =	shalt  }
0x4e: {  	_ =	shalt  }
0x4f: {  	_ =	shalt  }
0x50: {  	_ =	shalt  }
0x51: {  	_ =	shalt  }
0x52: {  	_ =	shalt  }
0x53: {  	_ =	shalt  }
0x54: {  	_ =	shalt  }
0x55: {  	_ =	shalt  }
0x56: {  	_ =	shalt  }
0x57: {  	_ =	shalt  }
0x58: {  	_ =	shalt  }
0x59: {  	_ =	shalt  }
0x5a: {  	_ =	shalt  }
0x5b: {  	_ =	shalt  }
0x5c: {  	_ =	shalt  }
0x5d: {  	_ =	shalt  }
0x5e: {  	_ =	shalt  }
0x5f: {  	_ =	shalt  }
0x60: {  	_ =	shalt  }
0x61: {  	_ =	shalt  }
0x62: {  	_ =	shalt  }
0x63: {  	_ =	shalt  }
0x64: {  	_ =	shalt  }
0x65: {  	_ =	shalt  }
0x66: {  	_ =	shalt  }
0x67: {  	_ =	shalt  }
0x68: {  	_ =	shalt  }
0x69: {  	_ =	shalt  }
0x6a: {  	_ =	shalt  }
0x6b: {  	_ =	shalt  }
0x6c: {  	_ =	shalt  }
0x6d: {  	_ =	shalt  }
0x6e: {  	_ =	shalt  }
0x6f: {  	_ =	shalt  }
0x70: {  	_ =	shalt  }
0x71: {  	_ =	shalt  }
0x72: {  	_ =	shalt  }
0x73: {  	_ =	shalt  }
0x74: {  	_ =	shalt  }
0x75: {  	_ =	shalt  }
0x76: {  	_ =	shalt  }
0x77: {  	_ =	shalt  }
0x78: {  	_ =	shalt  }
0x79: {  	_ =	shalt  }
0x7a: {  	_ =	shalt  }
0x7b: {  	_ =	shalt  }
0x7c: {  	_ =	shalt  }
0x7d: {  	_ =	shalt  }
0x7e: {  	_ =	shalt  }
0x7f: {  	_ =	shalt  }
0x80: {  	_ =	shalt  }
0x81: {  	_ =	shalt  }
0x82: {  	_ =	shalt  }
0x83: {  	_ =	shalt  }
0x84: {  	_ =	shalt  }
0x85: {  	_ =	shalt  }
0x86: {  	_ =	shalt  }
0x87: {  	_ =	shalt  }
.Lfunc_end0:
.L_simem_size_0:
called_computation.1_lowered:
.L_overlay_start_0:
0x88: {  	s2 =	sld [smem:$0x3FD9]  }
0x89: {  	s3 =	sld [smem:$0x3FFE];
	_ =	sdelay $0x1  }
0x8a: {  	s1 =	srdreg.scid  }
0x8b: {  	s0 =	sand.u32 $0x1, s1  }
0x8c: {  	s17 =	sshll.u32 s0, $0xA;
	s2 =	sadd.s32 s3, s2  }
0x8d: {  	s2 =	sadd.s32 s2, s17  }
0x8e: {  	[smem:$0x3FC3] =	sst s2  }
0x8f: {  	_ = 	snop  }
0x90: {  	s2 =	sld [smem:$0x3FD0];
	(tm) =	ssettm $0x1  }
0x91: {  	s18 =	sld [smem:$0x3FFB];
	_ =	sdelay $0x3  }
0x92: {  	_ =	strace s18  }
0x93: {  	s3 =	sld [smem:$0x3FFC];
	_ =	sdelay $0x3  }
0x94: {  	_ =	strace s3  }
0x95: {  	s3 =	sld [smem:$0x3FFD];
	_ =	sdelay $0x3  }
0x96: {  	_ =	strace s3  }
0x97: {  	_ =	strace $0x8FFFFFFF  }
0x98: {  	s19 =	sld [smem:$0x3FDB];
	_ =	sdelay $0x1  }
0x99: {  	s4 =	simm.s32 $_scs_section_size  }
0x9a: {  	s5 =	simm.s32 $_size__tile_overlayer_lowered;
	s6 =	simm.s32 $_tile_overlayer_lowered  }
0x9b: {  	s22 =	simm.s32 $0x1BFF;
	s21 =	sshll.u32 s6, $0x1;
	s3 =	sadd.s32 s4, s19  }
0x9c: {  	s7 =	simm.s32 $0x0;
	s20 =	sshll.u32 s5, $0x1;
	s5 =	sadd.s32 s21, s3  }
0x9d: {  	[timem:s7], [sflag:s22] =	dma.local [hbm:s5], s20  }
0x9e: {  	_ =	swait.ge [sflag:s22], s20  }
0x9f: {  	s4 =	ssub.s32 $0x0, s20;
	[sflag:s22] =	ssyncset.done $0x0  }
0xa0: {  	[sflag:s22] =	ssyncadd.s32 s4;
	_ =	sdelay $0x1  }
0xa1: {  	s23 =	simm.s32 $0x1B8B  }
0xa2: {  	_ =	swait.ge [sflag:s23], $0x1  }
0xa3: {  	[sflag:s23] =	ssyncset.done $0x0  }
0xa4: {  	s25 =	simm.s32 $0x1B8E;
	s24 =	sld [smem:$0x3FFE];
	[sflag:s23] =	ssyncadd.s32 $0xFFFFFFFF  }
0xa5: {  	s26 =	simm.s32 $execute0_lowered;
	[smem:$0x3FD2] =	sst s25  }
0xa6: {  	s5 =	sshll.u32 s26, $0x1;
	_ =	strace $0x80000049;
	[dreg:$0x1] =	wrdreg $0xFFFFFFFF  }
0xa7: {  	s28 =	simm.s32 $_size_execute0_lowered;
	s3 =	sadd.s32 s3, s5;
	[dreg:$0x0] =	wrdreg $0x0  }
0xa8: {  	s5 =	sshll.u32 s28, $0x1;
	[dreg:$0x2] =	wrdreg s3  }
0xa9: {  	[dreg:$0x3] =	wrdreg s5  }
0xaa: {  	[dreg:$0x4] =	wrdreg $0xC0  }
0xab: {  	_ =	task [dreg:s7], $0x5FFFF  }
0xac: {  	[dreg:$0x1] =	wrdreg $0xFFFFFFFF  }
0xad: {  	[dreg:$0x0] =	wrdreg $0x60  }
0xae: {  	[dreg:$0x2] =	wrdreg s24  }
0xaf: {  	[dreg:$0x3] =	wrdreg s2  }
0xb0: {  	[dreg:$0x4] =	wrdreg $0x9  }
0xb1: {  	_ =	task.clear_ibuf [dreg:s7], $0x5FFFF;
	_ =	strace $0x90000049  }
0xb2: {  	s29 =	simm.s32 $0x9;
	_ =	strace $0x8000004B  }
0xb3: {  	_ =	swait.ge [sflag:s29], $0x1  }
0xb4: {  	[sflag:s29] =	ssyncadd.s32 $0xFFFFFFFF  }
0xb5: {  	_ =	strace $0x9000004B  }
0xb6: {  	_ =	sfence  }
0xb7: {  	s30 =	sld [smem:$0x0];
	_ =	sdelay $0x2  }
0xb8: {  	s31 =	sshll.u32 s1, $0xD;
	s1 =	sshrl.u32 s1, $0x2  }
0xb9: {  	s3 =	sand.u32 $0x4000, s31;
	s1 =	sadd.s32 s1, s30  }
0xba: {  	s0 =	sor.u32 s3, s0;
	s1 =	sshll.u32 s1, $0x11  }
0xbb: {  	s0 =	sor.u32 s1, s0  }
0xbc: {  	s0 =	sadd.s32 $0x8F2B, s0  }
0xbd: {  	[sflag:s0] =	ssyncadd.remote.s32 $0x1  }
0xbe: {  	_ =	sfence.sel $0xFFFF  }
0xbf: {  	[dreg:$0x0] =	wrdreg $0xFFFFFFFF;
	(pc) =	sbr.abs _section_cstart, $3  }
0xc0: {  	[dreg:$0x1] =	wrdreg $0xFFFFFFFF  }
0xc1: {  	_ =	task.clear_ibuf [dreg:s7], $0x2FFFF;
	_ =	strace $0x9FFFFFFF  }
0xc2: {  	(tm) =	ssettm $0x7FFFFFFF  }
0xc3: {  	_ =	shalt  }
tec
execute0_lowered:
.L_overlay_start_1:
0x0: {  	(tag) =	ssettag $0x1  }
0x1: {  	s5 =	rddreg [dreg:$0x0]  }
0x2: {  	s4 =	rddreg [dreg:$0x1]  }
0x3: {  	s0 =	rddreg [dreg:$0x2];
	s1 =	simm.s32 $0x0  }
0x4: {  	s6 =	srdreg.scid;
	s2 =	stileid.u32;
	s13 =	simm.s32 $0x2  }
0x5: {  	s14 =	simm.s32 $0x50;
	s15 =	simm.s32 $0x1000;
	s16 =	simm.s32 $0x1  }
0x6: {  	s17 =	simm.s32 $0x0;
	[smem:$0x7FF] =	sst s1;
	s3 =	sadd.s32 $0x9A7600, s5  }
0x7: {  	s6 =	sand.u32 $0x1, s6;
	s8 =	sshll.u32 s2, $0xC;
	s10 =	smul.u32 $0x41000, s2  }
0x8: {  	_ =	strace $0x8000004A;
	s7 =	ssub.s32 $0x2, s6;
	s9 =	sshll.u32 s6, $0xB  }
0x9: {  	s31 =	smul.u32 $0x20800, s6;
	s11 =	sshrl.u32 s7, $0x1;
	s8 =	sor.u32 s9, s8  }
0xa: {  	s10 =	sadd.s32 s10, s5;
	s7 =	ssub.s32 s7, s11;
	s4 =	sadd.s32 s4, s8  }
0xb: {  	s12 =	sadd.s32 s31, s10;
	s5 =	smax.u32 s7, $0x1;
	s6 =	sadd.s32 $0x200, s4  }
0xc: {  	s7 =	sadd.s32 $0x400, s4;
	s8 =	sadd.s32 $0x600, s4;
	s9 =	sadd.s32 $0x1600, s12  }
0xd: {  	s10 =	sadd.s32 $0x9800, s12;
	s11 =	sadd.s32 $0x11A00, s12;
	s12 =	sadd.s32 $0x19C00, s12  }
.LBB2_1:
0xe: {  	[tilespmem:s1], [sflag:$0x2] =	stream.linear.gather [hbm4b:s4+s1], $0xD00, $0x38;
	[tilespmem:$0x3800] =	vst v63  }
0xf: {  	_ =	swait.ge [sflag:s13], $0xD00  }
0x10: {  	[sflag:s13] =	ssyncset.done $0x0  }
0x11: {  	s18 =	simm.s32 $0x0;
	[sflag:s13] =	ssyncadd.s32 $0xFFFFF300  }
0x12: {  	[tilespmem:s15], [sflag:$0x1] =	stream.indirect.gather [hbm4b:s3+s14], $0x80, s18, s14, $0xb8;
	[tilespmem:$0x3800] =	vst v63  }
0x13: {  	_ =	swait.ge [sflag:s16], $0x2800  }
0x14: {  	[sflag:s16] =	ssyncset.done $0x0  }
0x15: {  	[sflag:s16] =	ssyncadd.s32 $0xFFFFD800  }
0x16: {  	[hbm4b:s9+s1] =	stream.linear.scatter [tilespmem:s15], [sflag:$0x2], $0x2800, $0x38;
	[tilespmem:$0x3800] =	vst v63  }
0x17: {  	s19 =	simm.s32 $0x200;
	_ =	swait.ge [sflag:s13], $0x2800  }
0x18: {  	s20 =	simm.s32 $0x400;
	s18 =	sadd.s32 $0x500, s9;
	[sflag:s13] =	ssyncset.done $0x0  }
.LBB2_2:
0x19: {  	s21 =	sshra.s32 s19, $0x2  }
0x1a: {  	[sflag:s13] =	ssyncadd.s32 $0xFFFFD800;
	s19 =	smov.u32 s20;
	s22 =	sadd.s32 $0x200, s20  }
0x1b: {  	[tilespmem:s15], [sflag:$0x1] =	stream.indirect.gather [hbm4b:s3+s14], $0x80, s21, s14, $0xb8;
	[tilespmem:$0x3800] =	vst v63  }
0x1c: {  	p0 =	sne.s32 s20, $0x3200;
	_ =	swait.ge [sflag:s16], $0x2800  }
.Ltmp0:
0x1d: {  	[sflag:s16] =	ssyncset.done $0x0;
	(pc) =	sbr.rel @p0 .LBB2_2-.Ltmp0, $4  }
0x1e: {  	[sflag:s16] =	ssyncadd.s32 $0xFFFFD800  }
0x1f: {  	[hbm4b:s18+s1] =	stream.linear.scatter [tilespmem:s15], [sflag:$0x2], $0x2800, $0x38;
	[tilespmem:$0x3800] =	vst v63  }
0x20: {  	_ =	swait.ge [sflag:s13], $0x2800  }
0x21: {  	s20 =	smov.u32 s22;
	s18 =	sadd.s32 $0x500, s18;
	[sflag:s13] =	ssyncset.done $0x0  }
0x22: {  	s19 =	sshra.s32 s19, $0x2;
	[sflag:s13] =	ssyncadd.s32 $0xFFFFD800  }
0x23: {  	[tilespmem:s15], [sflag:$0x1] =	stream.indirect.gather [hbm4b:s3+s14], $0x80, s19, s14, $0xb8;
	[tilespmem:$0x3800] =	vst v63  }
0x24: {  	_ =	swait.ge [sflag:s16], $0x2800  }
0x25: {  	[sflag:s16] =	ssyncset.done $0x0  }
0x26: {  	[sflag:s16] =	ssyncadd.s32 $0xFFFFD800  }
0x27: {  	[hbm4b:s18+s1] =	stream.linear.scatter [tilespmem:s15], [sflag:$0x2], $0x2800, $0x38;
	[tilespmem:$0x3800] =	vst v63  }
0x28: {  	_ =	swait.ge [sflag:s13], $0x2800  }
0x29: {  	[sflag:s13] =	ssyncset.done $0x0  }
0x2a: {  	s30 =	simm.s32 $0x0;
	[sflag:s13] =	ssyncadd.s32 $0xFFFFD800  }
0x2b: {  	[tilespmem:s30], [sflag:$0x2] =	stream.linear.gather [hbm4b:s6+s30], $0xD00, $0x38;
	[tilespmem:$0x3800] =	vst v63  }
0x2c: {  	_ =	swait.ge [sflag:s13], $0xD00  }
0x2d: {  	[sflag:s13] =	ssyncset.done $0x0  }
0x2e: {  	s31 =	simm.s32 $0x0;
	[sflag:s13] =	ssyncadd.s32 $0xFFFFF300  }
0x2f: {  	[tilespmem:s15], [sflag:$0x1] =	stream.indirect.gather [hbm4b:s3+s14], $0x80, s31, s14, $0xb8;
	[tilespmem:$0x3800] =	vst v63  }
0x30: {  	_ =	swait.ge [sflag:s16], $0x2800  }
0x31: {  	[sflag:s16] =	ssyncset.done $0x0  }
0x32: {  	[sflag:s16] =	ssyncadd.s32 $0xFFFFD800  }
0x33: {  	[hbm4b:s10+s1] =	stream.linear.scatter [tilespmem:s15], [sflag:$0x2], $0x2800, $0x38;
	[tilespmem:$0x3800] =	vst v63  }
0x34: {  	s20 =	simm.s32 $0x400;
	_ =	swait.ge [sflag:s13], $0x2800  }
0x35: {  	s19 =	simm.s32 $0x200;
	s18 =	sadd.s32 $0x500, s10;
	[sflag:s13] =	ssyncset.done $0x0  }
.LBB2_4:
0x36: {  	s21 =	sshra.s32 s19, $0x2  }
0x37: {  	[sflag:s13] =	ssyncadd.s32 $0xFFFFD800;
	s19 =	smov.u32 s20;
	s22 =	sadd.s32 $0x200, s20  }
0x38: {  	[tilespmem:s15], [sflag:$0x1] =	stream.indirect.gather [hbm4b:s3+s14], $0x80, s21, s14, $0xb8;
	[tilespmem:$0x3800] =	vst v63  }
0x39: {  	p0 =	sne.s32 s20, $0x3200;
	_ =	swait.ge [sflag:s16], $0x2800  }
.Ltmp1:
0x3a: {  	[sflag:s16] =	ssyncset.done $0x0;
	(pc) =	sbr.rel @p0 .LBB2_4-.Ltmp1, $4  }
0x3b: {  	[sflag:s16] =	ssyncadd.s32 $0xFFFFD800  }
0x3c: {  	[hbm4b:s18+s1] =	stream.linear.scatter [tilespmem:s15], [sflag:$0x2], $0x2800, $0x38;
	[tilespmem:$0x3800] =	vst v63  }
0x3d: {  	_ =	swait.ge [sflag:s13], $0x2800  }
0x3e: {  	s20 =	smov.u32 s22;
	s18 =	sadd.s32 $0x500, s18;
	[sflag:s13] =	ssyncset.done $0x0  }
0x3f: {  	s19 =	sshra.s32 s19, $0x2;
	[sflag:s13] =	ssyncadd.s32 $0xFFFFD800  }
0x40: {  	[tilespmem:s15], [sflag:$0x1] =	stream.indirect.gather [hbm4b:s3+s14], $0x80, s19, s14, $0xb8;
	[tilespmem:$0x3800] =	vst v63  }
0x41: {  	_ =	swait.ge [sflag:s16], $0x2800  }
0x42: {  	[sflag:s16] =	ssyncset.done $0x0  }
0x43: {  	[sflag:s16] =	ssyncadd.s32 $0xFFFFD800  }
0x44: {  	[hbm4b:s18+s1] =	stream.linear.scatter [tilespmem:s15], [sflag:$0x2], $0x2800, $0x38;
	[tilespmem:$0x3800] =	vst v63  }
0x45: {  	_ =	swait.ge [sflag:s13], $0x2800  }
0x46: {  	[sflag:s13] =	ssyncset.done $0x0  }
0x47: {  	s30 =	simm.s32 $0x0;
	[sflag:s13] =	ssyncadd.s32 $0xFFFFD800  }
0x48: {  	[tilespmem:s30], [sflag:$0x2] =	stream.linear.gather [hbm4b:s7+s30], $0xD00, $0x38;
	[tilespmem:$0x3800] =	vst v63  }
0x49: {  	_ =	swait.ge [sflag:s13], $0xD00  }
0x4a: {  	[sflag:s13] =	ssyncset.done $0x0  }
0x4b: {  	s31 =	simm.s32 $0x0;
	[sflag:s13] =	ssyncadd.s32 $0xFFFFF300  }
0x4c: {  	[tilespmem:s15], [sflag:$0x1] =	stream.indirect.gather [hbm4b:s3+s14], $0x80, s31, s14, $0xb8;
	[tilespmem:$0x3800] =	vst v63  }
0x4d: {  	_ =	swait.ge [sflag:s16], $0x2800  }
0x4e: {  	[sflag:s16] =	ssyncset.done $0x0  }
0x4f: {  	[sflag:s16] =	ssyncadd.s32 $0xFFFFD800  }
0x50: {  	[hbm4b:s11+s1] =	stream.linear.scatter [tilespmem:s15], [sflag:$0x2], $0x2800, $0x38;
	[tilespmem:$0x3800] =	vst v63  }
0x51: {  	s20 =	simm.s32 $0x400;
	_ =	swait.ge [sflag:s13], $0x2800  }
0x52: {  	s19 =	simm.s32 $0x200;
	s18 =	sadd.s32 $0x500, s11;
	[sflag:s13] =	ssyncset.done $0x0  }
.LBB2_6:
0x53: {  	s21 =	sshra.s32 s19, $0x2  }
0x54: {  	[sflag:s13] =	ssyncadd.s32 $0xFFFFD800;
	s19 =	smov.u32 s20;
	s22 =	sadd.s32 $0x200, s20  }
0x55: {  	[tilespmem:s15], [sflag:$0x1] =	stream.indirect.gather [hbm4b:s3+s14], $0x80, s21, s14, $0xb8;
	[tilespmem:$0x3800] =	vst v63  }
0x56: {  	p0 =	sne.s32 s20, $0x3200;
	_ =	swait.ge [sflag:s16], $0x2800  }
.Ltmp2:
0x57: {  	[sflag:s16] =	ssyncset.done $0x0;
	(pc) =	sbr.rel @p0 .LBB2_6-.Ltmp2, $4  }
0x58: {  	[sflag:s16] =	ssyncadd.s32 $0xFFFFD800  }
0x59: {  	[hbm4b:s18+s1] =	stream.linear.scatter [tilespmem:s15], [sflag:$0x2], $0x2800, $0x38;
	[tilespmem:$0x3800] =	vst v63  }
0x5a: {  	_ =	swait.ge [sflag:s13], $0x2800  }
0x5b: {  	s20 =	smov.u32 s22;
	s18 =	sadd.s32 $0x500, s18;
	[sflag:s13] =	ssyncset.done $0x0  }
0x5c: {  	s19 =	sshra.s32 s19, $0x2;
	[sflag:s13] =	ssyncadd.s32 $0xFFFFD800  }
0x5d: {  	[tilespmem:s15], [sflag:$0x1] =	stream.indirect.gather [hbm4b:s3+s14], $0x80, s19, s14, $0xb8;
	[tilespmem:$0x3800] =	vst v63  }
0x5e: {  	_ =	swait.ge [sflag:s16], $0x2800  }
0x5f: {  	[sflag:s16] =	ssyncset.done $0x0  }
0x60: {  	[sflag:s16] =	ssyncadd.s32 $0xFFFFD800  }
0x61: {  	[hbm4b:s18+s1] =	stream.linear.scatter [tilespmem:s15], [sflag:$0x2], $0x2800, $0x38;
	[tilespmem:$0x3800] =	vst v63  }
0x62: {  	_ =	swait.ge [sflag:s13], $0x2800  }
0x63: {  	[sflag:s13] =	ssyncset.done $0x0  }
0x64: {  	s30 =	simm.s32 $0x0;
	[sflag:s13] =	ssyncadd.s32 $0xFFFFD800  }
0x65: {  	[tilespmem:s30], [sflag:$0x2] =	stream.linear.gather [hbm4b:s8+s30], $0xD00, $0x38;
	[tilespmem:$0x3800] =	vst v63  }
0x66: {  	_ =	swait.ge [sflag:s13], $0xD00  }
0x67: {  	[sflag:s13] =	ssyncset.done $0x0  }
0x68: {  	s31 =	simm.s32 $0x0;
	[sflag:s13] =	ssyncadd.s32 $0xFFFFF300  }
0x69: {  	[tilespmem:s15], [sflag:$0x1] =	stream.indirect.gather [hbm4b:s3+s14], $0x80, s31, s14, $0xb8;
	[tilespmem:$0x3800] =	vst v63  }
0x6a: {  	_ =	swait.ge [sflag:s16], $0x2800  }
0x6b: {  	[sflag:s16] =	ssyncset.done $0x0  }
0x6c: {  	[sflag:s16] =	ssyncadd.s32 $0xFFFFD800  }
0x6d: {  	[hbm4b:s12+s1] =	stream.linear.scatter [tilespmem:s15], [sflag:$0x2], $0x2800, $0x38;
	[tilespmem:$0x3800] =	vst v63  }
0x6e: {  	s20 =	simm.s32 $0x400;
	_ =	swait.ge [sflag:s13], $0x2800  }
0x6f: {  	s19 =	simm.s32 $0x200;
	s18 =	sadd.s32 $0x500, s12;
	[sflag:s13] =	ssyncset.done $0x0  }
.LBB2_8:
0x70: {  	s21 =	sshra.s32 s19, $0x2  }
0x71: {  	[sflag:s13] =	ssyncadd.s32 $0xFFFFD800;
	s19 =	smov.u32 s20;
	s22 =	sadd.s32 $0x200, s20  }
0x72: {  	[tilespmem:s15], [sflag:$0x1] =	stream.indirect.gather [hbm4b:s3+s14], $0x80, s21, s14, $0xb8;
	[tilespmem:$0x3800] =	vst v63  }
0x73: {  	p0 =	sne.s32 s20, $0x3200;
	_ =	swait.ge [sflag:s16], $0x2800  }
.Ltmp3:
0x74: {  	[sflag:s16] =	ssyncset.done $0x0;
	(pc) =	sbr.rel @p0 .LBB2_8-.Ltmp3, $4  }
0x75: {  	[sflag:s16] =	ssyncadd.s32 $0xFFFFD800  }
0x76: {  	[hbm4b:s18+s1] =	stream.linear.scatter [tilespmem:s15], [sflag:$0x2], $0x2800, $0x38;
	[tilespmem:$0x3800] =	vst v63  }
0x77: {  	_ =	swait.ge [sflag:s13], $0x2800  }
0x78: {  	s20 =	smov.u32 s22;
	s18 =	sadd.s32 $0x500, s18;
	[sflag:s13] =	ssyncset.done $0x0  }
0x79: {  	s19 =	sshra.s32 s19, $0x2;
	[sflag:s13] =	ssyncadd.s32 $0xFFFFD800  }
0x7a: {  	[tilespmem:s15], [sflag:$0x1] =	stream.indirect.gather [hbm4b:s3+s14], $0x80, s19, s14, $0xb8;
	[tilespmem:$0x3800] =	vst v63  }
0x7b: {  	s17 =	sadd.s32 $0x1, s17;
	_ =	swait.ge [sflag:s16], $0x2800  }
0x7c: {  	p0 =	sne.s32 s17, s5;
	[sflag:s16] =	ssyncset.done $0x0  }
.Ltmp4:
0x7d: {  	[sflag:s16] =	ssyncadd.s32 $0xFFFFD800;
	(pc) =	sbr.rel @p0 .LBB2_1-.Ltmp4, $4  }
0x7e: {  	[hbm4b:s18+s1] =	stream.linear.scatter [tilespmem:s15], [sflag:$0x2], $0x2800, $0x38;
	[tilespmem:$0x3800] =	vst v63  }
0x7f: {  	_ =	swait.ge [sflag:s13], $0x2800  }
0x80: {  	[sflag:s13] =	ssyncset.done $0x0  }
0x81: {  	[sflag:s13] =	ssyncadd.s32 $0xFFFFD800  }
0x82: {  	_ =	sfence.sel $0x180000  }
0x83: {  	[bflag:$0x0] =	sbarrier.arrive $0xFFFF  }
0x84: {  	p0 =	sne.s32 s2, $0x0;
	_ =	strace $0x9000004A  }
0x85: {  	s0 =	sadd.s32 @!p0 $0x100000, s0;
	[bflag:$0x2] =	sbarrier.arrive $0xFFFF  }
0x86: {  	[sflag:s0] =	ssyncadd.tile.s32 @!p0 $0x1;
	_ =	shalt  }
.Lfunc_end2:
_tile_overlayer_lowered:
.L_overlay_start_2:
0x87: {  	(tag) =	ssettag $0x2  }
0x88: {  	s0 =	rddreg [dreg:$0x0];
	s2 =	stileid.u32  }
0x89: {  	s1 =	rddreg [dreg:$0x1];
	p0 =	sne.s32 s2, $0x0  }
0x8a: {  	s3 =	rddreg [dreg:$0x2];
	[bflag:$0x3] =	sbarrier.arrive $0xFFFF;
	s2 =	simm.s32 @!p0 $0x1C02  }
0x8b: {  	[timem:s3], [sflag:s2] =	dma.local @!p0 [hbm:s0], s1  }
0x8c: {  	s0 =	simm.s32 @!p0 $0x2  }
0x8d: {  	_ =	swait.ge @!p0 [sflag:s0], s1  }
0x8e: {  	s1 =	ssub.s32 @!p0 $0x0, s1;
	[sflag:s0] =	ssyncset.done @!p0 $0x0  }
0x8f: {  	[sflag:s0] =	ssyncadd.s32 @!p0 s1  }
0x90: {  	[bflag:$0x3] =	sbarrier.arrive $0xFFFF  }
0x91: {  	_ =	shalt  }

// kernel: kernel.9.cloned.1.call-start
scs
__scs_entry_jumppad:
0x0: {  	(pc) =	sbr.rel $0x88, $3  }
0x1: {  	(tag) =	ssettag $0x0;
	lr =	simm.s32 $0x1  }
0x2: {  	[smem:$0x3F9C] =	sst lr;
	_ =	strace $0xD0000000  }
0x3: {  	_ = 	snop  }
0x4: {  	_ = 	snop  }
0x5: {  	_ = 	snop  }
0x6: {  	_ = 	snop  }
0x7: {  	_ = 	snop  }
__scs_overlays_trampoline_lowered:
0x8: {  	[smem:$0x3FAB] =	sst s0  }
0x9: {  	[smem:$0x3FAC] =	sst s1  }
0xa: {  	[smem:$0x3FAD] =	sst s2  }
0xb: {  	[smem:$0x3FAE] =	sst s3  }
0xc: {  	[smem:$0x3FAF] =	sst s4  }
0xd: {  	[smem:$0x3FB0] =	sst s5  }
0xe: {  	[smem:$0x3FB1] =	sst s6  }
0xf: {  	[smem:$0x3FB2] =	sst s7  }
0x10: {  	[smem:$0x3FB3] =	sst s8  }
0x11: {  	[smem:$0x3FB4] =	sst s9;
	s0 =	simm.s32 @!p0 $0x0  }
0x12: {  	s1 =	sld [smem:$0x3F9A];
	s0 =	simm.s32 @p0 $0x1  }
0x13: {  	[smem:$0x3FB5] =	sst s0;
	s0 =	simm.s32 @!p1 $0x0  }
0x14: {  	s2 =	sld [smem:$0x3F99];
	s0 =	simm.s32 @p1 $0x1  }
0x15: {  	[smem:$0x3FB6] =	sst s0;
	s0 =	simm.s32 @!p2 $0x0  }
0x16: {  	s3 =	sld [smem:$0x3FDB];
	s0 =	simm.s32 @p2 $0x1  }
0x17: {  	s4 =	simm.s32 $0x1BF5;
	[smem:$0x3FB8] =	sst s0  }
0x18: {  	s0 =	sld [smem:$0x3F9B];
	_ =	swait.ge [sflag:s4], $0x0  }
0x19: {  	s7 =	sld [smem:$0x3F9C]  }
0x1a: {  	s8 =	sadd.s32 $0xFFFFE003, lr  }
0x1b: {  	s9 =	sadd.s32 $0xFFFFFEF7, lr;
	s5 =	simm.s32 $0xFFFFFFFF;
	p2 =	slt.u32 s8, $0xFFFFF086  }
0x1c: {  	p1 =	slt.u32 s9, $0xF7A;
	s5 =	simm.s32 @!p2 $0x0  }
0x1d: {  	s5 =	simm.s32 @p1 $0x1;
	p0 =	seq.s32 s7, s2  }
0x1e: {  	s7 =	smul.u32 @!p0 $0xF7A, s2;
	p2 =	seq.s32 @!p0 s5, $0x0  }
0x1f: {  	s9 =	smul.u32 $0xF7A, s1;
	s8 =	simm.s32 @!p0 $0x1BF5;
	p2 =	por !p2, p0  }
0x20: {  	[sflag:s8] =	ssyncset.s32 @!p0 $0xFFFFF086;
	s6 =	sadd.s32 @!p0 s3, s7;
	s7 =	simm.s32 @!p0 $0x108  }
0x21: {  	s3 =	sadd.s32 s3, s9;
	s6 =	sadd.s32 @!p0 $0x88, s6;
	s7 =	simm.s32 @p2 $0x1082  }
0x22: {  	[simem:s7], [sflag:s8] =	dma.local @!p0 [hbm:s6], $0xF7A  }
0x23: {  	s9 =	sor.u32 $0xD0000000, s2;
	s6 =	simm.s32 $0x108;
	_ =	swait.ge @!p0 [sflag:s8], $0x0  }
0x24: {  	s3 =	sadd.s32 $0x88, s3;
	s6 =	simm.s32 @!p1 $0x1082;
	[sflag:s4] =	ssyncset.s32 $0xFFFFF086  }
0x25: {  	[simem:s6], [sflag:s4] =	dma.local [hbm:s3], $0xF7A  }
0x26: {  	[smem:$0x3F9C] =	sst s1;
	(tag) =	ssettag s2;
	_ =	strace s9  }
0x27: {  	s1 =	sld [smem:$0x3FAC]  }
0x28: {  	s2 =	sld [smem:$0x3FAD]  }
0x29: {  	s4 =	sld [smem:$0x3FAF]  }
0x2a: {  	p0 =	seq.s32 s5, $0x0;
	s5 =	sld [smem:$0x3FB0]  }
0x2b: {  	s6 =	sld [smem:$0x3FB1]  }
0x2c: {  	s7 =	sld [smem:$0x3FB2]  }
0x2d: {  	s3 =	simm.s32 $0x108;
	s8 =	sld [smem:$0x3FB3]  }
0x2e: {  	s3 =	simm.s32 @!p0 $0x1082;
	s9 =	sld [smem:$0x3FB4]  }
0x2f: {  	lr =	sadd.s32 s0, s3;
	s0 =	sld [smem:$0x3FAB]  }
0x30: {  	s3 =	sld [smem:$0x3FAE]  }
0x31: {  	[smem:$0x3FB7] =	sst s10  }
0x32: {  	s10 =	sld [smem:$0x3FB5];
	_ =	sdelay $0x3  }
0x33: {  	p0 =	seq.s32 s10, $0x1;
	s10 =	sld [smem:$0x3FB7];
	_ =	sdelay $0x3  }
0x34: {  	[smem:$0x3FB7] =	sst s10  }
0x35: {  	s10 =	sld [smem:$0x3FB6];
	_ =	sdelay $0x3  }
0x36: {  	p1 =	seq.s32 s10, $0x1;
	s10 =	sld [smem:$0x3FB7];
	_ =	sdelay $0x3  }
0x37: {  	[smem:$0x3FB7] =	sst s10  }
0x38: {  	s10 =	sld [smem:$0x3FB8]  }
0x39: {  	_ = 	snop;
	(pc) =	sbr.ind lr, $3  }
0x3a: {  	_ = 	snop  }
0x3b: {  	_ = 	snop  }
0x3c: {  	p2 =	seq.s32 s10, $0x1;
	s10 =	sld [smem:$0x3FB7]  }
0x3d: {  	_ =	shalt  }
0x3e: {  	_ =	shalt  }
0x3f: {  	_ =	shalt  }
0x40: {  	_ =	shalt  }
0x41: {  	_ =	shalt  }
0x42: {  	_ =	shalt  }
0x43: {  	_ =	shalt  }
0x44: {  	_ =	shalt  }
0x45: {  	_ =	shalt  }
0x46: {  	_ =	shalt  }
0x47: {  	_ =	shalt  }
0x48: {  	_ =	shalt  }
0x49: {  	_ =	shalt  }
0x4a: {  	_ =	shalt  }
0x4b: {  	_ =	shalt  }
0x4c: {  	_ =	shalt  }
0x4d: {  	_ =	shalt  }
0x4e: {  	_ =	shalt  }
0x4f: {  	_ =	shalt  }
0x50: {  	_ =	shalt  }
0x51: {  	_ =	shalt  }
0x52: {  	_ =	shalt  }
0x53: {  	_ =	shalt  }
0x54: {  	_ =	shalt  }
0x55: {  	_ =	shalt  }
0x56: {  	_ =	shalt  }
0x57: {  	_ =	shalt  }
0x58: {  	_ =	shalt  }
0x59: {  	_ =	shalt  }
0x5a: {  	_ =	shalt  }
0x5b: {  	_ =	shalt  }
0x5c: {  	_ =	shalt  }
0x5d: {  	_ =	shalt  }
0x5e: {  	_ =	shalt  }
0x5f: {  	_ =	shalt  }
0x60: {  	_ =	shalt  }
0x61: {  	_ =	shalt  }
0x62: {  	_ =	shalt  }
0x63: {  	_ =	shalt  }
0x64: {  	_ =	shalt  }
0x65: {  	_ =	shalt  }
0x66: {  	_ =	shalt  }
0x67: {  	_ =	shalt  }
0x68: {  	_ =	shalt  }
0x69: {  	_ =	shalt  }
0x6a: {  	_ =	shalt  }
0x6b: {  	_ =	shalt  }
0x6c: {  	_ =	shalt  }
0x6d: {  	_ =	shalt  }
0x6e: {  	_ =	shalt  }
0x6f: {  	_ =	shalt  }
0x70: {  	_ =	shalt  }
0x71: {  	_ =	shalt  }
0x72: {  	_ =	shalt  }
0x73: {  	_ =	shalt  }
0x74: {  	_ =	shalt  }
0x75: {  	_ =	shalt  }
0x76: {  	_ =	shalt  }
0x77: {  	_ =	shalt  }
0x78: {  	_ =	shalt  }
0x79: {  	_ =	shalt  }
0x7a: {  	_ =	shalt  }
0x7b: {  	_ =	shalt  }
0x7c: {  	_ =	shalt  }
0x7d: {  	_ =	shalt  }
0x7e: {  	_ =	shalt  }
0x7f: {  	_ =	shalt  }
0x80: {  	_ =	shalt  }
0x81: {  	_ =	shalt  }
0x82: {  	_ =	shalt  }
0x83: {  	_ =	shalt  }
0x84: {  	_ =	shalt  }
0x85: {  	_ =	shalt  }
0x86: {  	_ =	shalt  }
0x87: {  	_ =	shalt  }
.Lfunc_end0:
.L_simem_size_0:
called_computation_lowered:
.L_overlay_start_0:
0x88: {  	s2 =	sld [smem:$0x3FD9]  }
0x89: {  	s3 =	sld [smem:$0x3FFE];
	_ =	sdelay $0x1  }
0x8a: {  	s1 =	srdreg.scid  }
0x8b: {  	s0 =	sand.u32 $0x1, s1  }
0x8c: {  	s17 =	sshll.u32 s0, $0xA;
	s2 =	sadd.s32 s3, s2  }
0x8d: {  	s2 =	sadd.s32 s2, s17  }
0x8e: {  	[smem:$0x3FC3] =	sst s2  }
0x8f: {  	_ = 	snop  }
0x90: {  	s2 =	sld [smem:$0x3FD0];
	(tm) =	ssettm $0x1  }
0x91: {  	s18 =	sld [smem:$0x3FFB];
	_ =	sdelay $0x3  }
0x92: {  	_ =	strace s18  }
0x93: {  	s3 =	sld [smem:$0x3FFC];
	_ =	sdelay $0x3  }
0x94: {  	_ =	strace s3  }
0x95: {  	s3 =	sld [smem:$0x3FFD];
	_ =	sdelay $0x3  }
0x96: {  	_ =	strace s3  }
0x97: {  	_ =	strace $0x8FFFFFFF  }
0x98: {  	s19 =	sld [smem:$0x3FDB];
	_ =	sdelay $0x1  }
0x99: {  	s4 =	simm.s32 $_scs_section_size  }
0x9a: {  	s5 =	simm.s32 $_size__tile_overlayer_lowered;
	s6 =	simm.s32 $_tile_overlayer_lowered  }
0x9b: {  	s22 =	simm.s32 $0x1BFF;
	s21 =	sshll.u32 s6, $0x1;
	s3 =	sadd.s32 s4, s19  }
0x9c: {  	s7 =	simm.s32 $0x0;
	s20 =	sshll.u32 s5, $0x1;
	s5 =	sadd.s32 s21, s3  }
0x9d: {  	[timem:s7], [sflag:s22] =	dma.local [hbm:s5], s20  }
0x9e: {  	_ =	swait.ge [sflag:s22], s20  }
0x9f: {  	s4 =	ssub.s32 $0x0, s20;
	[sflag:s22] =	ssyncset.done $0x0  }
0xa0: {  	[sflag:s22] =	ssyncadd.s32 s4;
	_ =	sdelay $0x1  }
0xa1: {  	s23 =	simm.s32 $0x1B8B  }
0xa2: {  	_ =	swait.ge [sflag:s23], $0x1  }
0xa3: {  	[sflag:s23] =	ssyncset.done $0x0  }
0xa4: {  	s25 =	simm.s32 $0x1B8E;
	s24 =	sld [smem:$0x3FFE];
	[sflag:s23] =	ssyncadd.s32 $0xFFFFFFFF  }
0xa5: {  	s26 =	simm.s32 $execute0_lowered;
	[smem:$0x3FD2] =	sst s25  }
0xa6: {  	s5 =	sshll.u32 s26, $0x1;
	_ =	strace $0x80000046;
	[dreg:$0x1] =	wrdreg $0xFFFFFFFF  }
0xa7: {  	s28 =	simm.s32 $_size_execute0_lowered;
	s3 =	sadd.s32 s3, s5;
	[dreg:$0x0] =	wrdreg $0x0  }
0xa8: {  	s5 =	sshll.u32 s28, $0x1;
	[dreg:$0x2] =	wrdreg s3  }
0xa9: {  	[dreg:$0x3] =	wrdreg s5  }
0xaa: {  	[dreg:$0x4] =	wrdreg $0xC0  }
0xab: {  	_ =	task [dreg:s7], $0x5FFFF  }
0xac: {  	[dreg:$0x1] =	wrdreg $0xFFFFFFFF  }
0xad: {  	[dreg:$0x0] =	wrdreg $0x60  }
0xae: {  	[dreg:$0x2] =	wrdreg s24  }
0xaf: {  	[dreg:$0x3] =	wrdreg s2  }
0xb0: {  	[dreg:$0x4] =	wrdreg $0x9  }
0xb1: {  	_ =	task.clear_ibuf [dreg:s7], $0x5FFFF;
	_ =	strace $0x90000046  }
0xb2: {  	s29 =	simm.s32 $0x9;
	_ =	strace $0x80000048  }
0xb3: {  	_ =	swait.ge [sflag:s29], $0x1  }
0xb4: {  	[sflag:s29] =	ssyncadd.s32 $0xFFFFFFFF  }
0xb5: {  	_ =	strace $0x90000048  }
0xb6: {  	_ =	sfence  }
0xb7: {  	s30 =	sld [smem:$0x0];
	_ =	sdelay $0x2  }
0xb8: {  	s31 =	sshll.u32 s1, $0xD;
	s1 =	sshrl.u32 s1, $0x2  }
0xb9: {  	s3 =	sand.u32 $0x4000, s31;
	s1 =	sadd.s32 s1, s30  }
0xba: {  	s0 =	sor.u32 s3, s0;
	s1 =	sshll.u32 s1, $0x11  }
0xbb: {  	s0 =	sor.u32 s1, s0  }
0xbc: {  	s0 =	sadd.s32 $0x8F2B, s0  }
0xbd: {  	[sflag:s0] =	ssyncadd.remote.s32 $0x1  }
0xbe: {  	_ =	sfence.sel $0xFFFF  }
0xbf: {  	[dreg:$0x0] =	wrdreg $0xFFFFFFFF;
	(pc) =	sbr.abs _section_cstart, $3  }
0xc0: {  	[dreg:$0x1] =	wrdreg $0xFFFFFFFF  }
0xc1: {  	_ =	task.clear_ibuf [dreg:s7], $0x2FFFF;
	_ =	strace $0x9FFFFFFF  }
0xc2: {  	(tm) =	ssettm $0x7FFFFFFF  }
0xc3: {  	_ =	shalt  }
tec
execute0_lowered:
.L_overlay_start_1:
0x0: {  	(tag) =	ssettag $0x1  }
0x1: {  	s0 =	rddreg [dreg:$0x0];
	s1 =	simm.s32 $0x0  }
0x2: {  	s24 =	srdreg.scid;
	s2 =	stileid.u32;
	s14 =	simm.s32 $0x2  }
0x3: {  	s15 =	simm.s32 $0x1100;
	s16 =	simm.s32 $0x1;
	s31 =	simm.s32 $0x1200  }
0x4: {  	s19 =	simm.s32 $0x50;
	s20 =	simm.s32 $0x3200;
	[smem:$0x7FF] =	sst s1  }
0x5: {  	s23 =	sadd.s32 $0x1600, s0;
	s5 =	sadd.s32 $0x83600, s0;
	s1 =	sand.u32 $0x1, s24  }
0x6: {  	s3 =	sadd.s32 $0x9E00, s0;
	s25 =	smul.u32 $0x41000, s2;
	s7 =	sshll.u32 s2, $0x3  }
0x7: {  	s29 =	smul.u32 $0x4400, s2;
	_ =	strace $0x80000047;
	[dreg:$0x4] =	wrdreg s23  }
0x8: {  	v2 =	vimm.s32 $0xECA86420;
	v0 =	vimm.s32 $0x0;
	[dreg:$0x5] =	wrdreg s3;
	s4 =	ssub.s32 $0x2, s1;
	s8 =	sshll.u32 s1, $0x2  }
0x9: {  	v1 =	vlaneseq.u32;
	vm0 =	vcmask $0xB08;
	vm1 =	vcmask $0x1310;
	s1 =	smul.u32 $0x20800, s1;
	[dreg:$0x3] =	wrdreg s31;
	s0 =	sadd.s32 s25, s0  }
0xa: {  	vm2 =	vcmask $0x1B18;
	vm3 =	vcmask $0x300;
	vm4 =	vcmask $0x2320;
	s26 =	sshrl.u32 s4, $0x1;
	s6 =	sor.u32 s8, s7;
	[dreg:$0x8] =	wrdreg s29  }
0xb: {  	vm5 =	vcmask $0x2B28;
	vm6 =	vcmask $0x3330;
	vm7 =	vcmask $0x3B38;
	s3 =	ssub.s32 s4, s26;
	[dreg:$0x6] =	wrdreg s6;
	s28 =	sshrl.u32 s6, $0x2  }
0xc: {  	vm8 =	vmmov $0xff;
	vm10 =	vcmask $0x704;
	v2 =	vunpack.c.l.s4.s8 v2;
	s0 =	sadd.s32 s1, s0;
	[dreg:$0x7] =	wrdreg s28;
	s30 =	smax.u32 s3, $0x1  }
0xd: {  	vm11 =	vcmask $0xF0C;
	vm13 =	vcmask $0x1F1C;
	vm14 =	vcmask $0x2724;
	s7 =	simm.s32 $0x80;
	s0 =	sadd.s32 $0x187600, s0;
	[dreg:$0x9] =	wrdreg s30  }
0xe: {  	vm15 =	vcmask $0x2F2C;
	v3 =	vmul.u32 $0x2, v1;
	v2 =	vunpack.c.0.s8.s32 v2;
	s8 =	simm.s32 $0x400;
	s1 =	simm.s32 $0x0;
	[dreg:$0xa] =	wrdreg s0  }
.LBB2_1:
0xf: {  	[dreg:$0xb] =	wrdreg s1  }
0x10: {  	s9 =	rddreg [dreg:$0xa];
	s2 =	simm.s32 $0x0  }
.LBB2_2:
0x11: {  	s0 =	rddreg [dreg:$0x6]  }
0x12: {  	s4 =	sor.u32 s0, s2  }
0x13: {  	s0 =	sshll.u32 s4, $0x7  }
0x14: {  	s1 =	rddreg [dreg:$0x8];
	s0 =	sand.u32 $0x380, s0  }
0x15: {  	s0 =	sor.u32 s1, s0  }
0x16: {  	s31 =	rddreg [dreg:$0x4];
	s1 =	sshrl.u32 s0, $0x3  }
0x17: {  	s26 =	simm.s32 $0x0;
	[dreg:$0xf] =	wrdreg s1;
	s0 =	sadd.s32 s31, s1  }
0x18: {  	[tilespmem:s26], [sflag:$0x2] =	stream.strided.gather [hbm4b:s0+s7], $0x880, s8, s7, $0x38;
	[tilespmem:$0x5A00] =	vst v63  }
0x19: {  	_ =	swait.ge [sflag:s14], $0x880  }
0x1a: {  	[sflag:s14] =	ssyncset.done $0x0  }
0x1b: {  	[sflag:s14] =	ssyncadd.s32 $0xFFFFF780  }
0x1c: {  	[tilespmem:$0x1100] =	vst v0  }
0x1d: {  	[tilespmem:$0x1110] =	vst v0  }
0x1e: {  	[tilespmem:$0x1120] =	vst v0  }
0x1f: {  	[tilespmem:$0x1130] =	vst v0  }
0x20: {  	[tilespmem:$0x1140] =	vst v0  }
0x21: {  	[tilespmem:$0x1150] =	vst v0  }
0x22: {  	[tilespmem:$0x1160] =	vst v0  }
0x23: {  	[tilespmem:$0x1170] =	vst v0  }
0x24: {  	s1 =	simm.s32 $0x0;
	s0 =	simm.s32 $0x40;
	[tilespmem:$0x1180] =	vst v0  }
.LBB2_3:
0x25: {  	p0 =	seq.s32 s0, $0x2040;
	v4 =	vld [tilespmem:s1+$0x0];
	_ =	sdelay $0x4  }
0x26: {  	(xrf1) =	vunique.msk.u32 $0xffff, v4;
	_ =	sdelay $0xd  }
0x27: {  	_, v5, vm9 =	vpop (xrf1);
	_ =	sdelay $0x1  }
.Ltmp0:
0x28: {  	(pc) =	sbr.rel @!p0 .LBB2_3-.Ltmp0, $2  }
0x29: {  	_ =	sdelay $0x2  }
0x2a: {  	s1 =	sshra.s32 s0, $0x2;
	s0 =	sadd.s32 $0x40, s0;
	[tilespmem:v4+s15+$0x0] =	vst.idx.add.s32.msk vm9, v5  }
0x2b: {  	v4 =	vld [tilespmem:s1+$0x0];
	_ =	sdelay $0x4  }
0x2c: {  	(xrf1) =	vunique.msk.u32 $0xffff, v4;
	_ =	sdelay $0xd  }
0x2d: {  	_, v5, vm9 =	vpop (xrf1);
	_ =	sdelay $0x5  }
0x2e: {  	s3 =	simm.s32 $0x0;
	[tilespmem:v4+s15+$0x0] =	vst.idx.add.s32.msk vm9, v5  }
0x2f: {  	v4 =	vld [tilespmem:s3+$0x1100];
	_ =	sdelay $0x4  }
0x30: {  	(xrf0) =	vadd.scan.msk.s32 $0xffff, v4;
	_ =	sdelay $0x5  }
0x31: {  	v5, _, _ =	vpop (xrf0)  }
0x32: {  	(v2sf) =	vpush v5, $0xF  }
0x33: {  	v4 =	vsub.s32 s26, v4  }
0x34: {  	v4 =	vadd.s32 v5, v4  }
0x35: {  	s0 =	simm.s32 $0x10;
	s1 =	simm.s32 $0x80;
	[tilespmem:s3+$0x1100] =	vst v4  }
.LBB2_5:
0x36: {  	p0 =	seq.s32 s1, $0x200;
	v4 =	vld [tilespmem:s0+$0x1100];
	_ =	sdelay $0x4  }
0x37: {  	(xrf0) =	vadd.scan.msk.s32 $0xffff, v4;
	_ =	sdelay $0x5  }
.Ltmp1:
0x38: {  	v5, _, _ =	vpop (xrf0);
	s3 =	spop (v2sf);
	(pc) =	sbr.rel @!p0 .LBB2_5-.Ltmp1, $4  }
0x39: {  	(v2sf) =	vpush v5, $0xF;
	s26 =	sadd.s32 s26, s3  }
0x3a: {  	v4 =	vsub.s32 s26, v4  }
0x3b: {  	v4 =	vadd.s32 v5, v4  }
0x3c: {  	[tilespmem:s0+$0x1100] =	vst v4;
	s0 =	sshra.s32 s1, $0x2;
	s1 =	sadd.s32 $0x40, s1  }
0x3d: {  	v4 =	vld [tilespmem:s0+$0x1100];
	_ =	sdelay $0x4  }
0x3e: {  	(xrf0) =	vadd.scan.msk.s32 $0xffff, v4;
	_ =	sdelay $0x5  }
0x3f: {  	v5, _, _ =	vpop (xrf0)  }
0x40: {  	(v2sf) =	vpush v5, $0xF;
	_ =	sdelay $0x5  }
0x41: {  	s1 =	spop (v2sf)  }
0x42: {  	s1 =	sadd.s32 s26, s1  }
0x43: {  	p0 =	seq.s32 s4, $0x0;
	p1 =	sne.s32 s2, $0x0;
	v4 =	vsub.s32 s1, v4  }
0x44: {  	p0 =	por !p1, !p0;
	v4 =	vadd.s32 v5, v4  }
0x45: {  	p0 =	por !p0, !p0;
	[tilespmem:s0+$0x1100] =	vst v4;
	s0 =	simm.s32 $0x1  }
0x46: {  	s30 =	rddreg [dreg:$0x7];
	s0 =	simm.s32 @!p0 $0x0  }
0x47: {  	[dreg:$0xc] =	wrdreg s9;
	s31 =	smul.u32 $0x820, s4;
	s0 =	ssub.s32 s30, s0  }
0x48: {  	[dreg:$0xd] =	wrdreg s2;
	s0 =	smul.u32 $0x820, s0  }
0x49: {  	[dreg:$0xe] =	wrdreg s4  }
0x4a: {  	vm9 =	vcmask $0x3734;
	s28 =	simm.s32 $0x0;
	v5 =	vmov s31;
	v4 =	vmov s0;
	s0 =	simm.s32 $0x0;
	s29 =	spop (v2sf)  }
.LBB2_7:
0x4b: {  	v6 =	vld [tilespmem:s0+$0x0];
	_ =	sdelay $0x4  }
0x4c: {  	(xrf1) =	vunique.msk.u32 $0xffff, v6;
	_ =	sdelay $0x9  }
0x4d: {  	v8 =	vld.idx.msk [tilespmem:v6+s15+$0x0], $0xffff;
	_ =	sdelay $0x3  }
0x4e: {  	_, v7, vm12 =	vpop (xrf1)  }
0x4f: {  	v8 =	vadd.s32 v7, v8  }
0x50: {  	v8 =	vadd.s32 $0xFFFFFFFF, v8  }
0x51: {  	(v2sf) =	vpush v8, $0xD;
	_ =	sdelay $0x1  }
0x52: {  	(v2sf) =	vpush v8, $0xC;
	_ =	sdelay $0x1  }
0x53: {  	(v2sf) =	vpush v8, $0xE;
	_ =	sdelay $0x1  }
0x54: {  	(v2sf) =	vpush v8, $0xF;
	_ =	sdelay $0x1  }
0x55: {  	(v2sf) =	vpush v8, $0x9;
	_ =	sdelay $0x1  }
0x56: {  	(v2sf) =	vpush v8, $0x8;
	_ =	sdelay $0x1  }
0x57: {  	(v2sf) =	vpush v8, $0xA;
	_ =	sdelay $0x1  }
0x58: {  	(v2sf) =	vpush v8, $0xB  }
0x59: {  	s25 =	spop (v2sf)  }
0x5a: {  	[dreg:$0x10] =	wrdreg s0;
	(v2sf) =	vpush v8, $0x0;
	s1 =	smulhi.u32 $0x66666667, s25;
	s0 =	sshra.s32 s25, $0x1F  }
0x5b: {  	s3 =	spop (v2sf);
	s0 =	smul.u32 $0x66666667, s0  }
0x5c: {  	(v2sf) =	vpush v8, $0x1;
	s10 =	smulhi.u32 $0x66666667, s3;
	s3 =	sshra.s32 s3, $0x1F  }
0x5d: {  	s4 =	spop (v2sf);
	s3 =	smul.u32 $0x66666667, s3  }
0x5e: {  	(v2sf) =	vpush v8, $0x2;
	s21 =	smulhi.u32 $0x66666667, s4;
	s4 =	sshra.s32 s4, $0x1F  }
0x5f: {  	(v2sf) =	vpush v8, $0x3;
	s11 =	spop (v2sf);
	s31 =	smul.u32 $0x66666667, s4  }
0x60: {  	(v2sf) =	vpush v8, $0x4;
	s6 =	smulhi.u32 $0x66666667, s11;
	s11 =	sshra.s32 s11, $0x1F  }
0x61: {  	s29 =	spop (v2sf);
	s11 =	smul.u32 $0x66666667, s11  }
0x62: {  	(v2sf) =	vpush v8, $0x5;
	s7 =	smulhi.u32 $0x66666667, s29;
	s29 =	sshra.s32 s29, $0x1F  }
0x63: {  	(v2sf) =	vpush v8, $0x6;
	s1 =	sadd.s32 s0, s1;
	s26 =	spop (v2sf);
	s12 =	smul.u32 $0x66666667, s29  }
0x64: {  	(v2sf) =	vpush v8, $0x7;
	[dreg:$0x11] =	wrdreg s1;
	s13 =	smulhi.u32 $0x66666667, s26;
	s4 =	sshra.s32 s26, $0x1F  }
0x65: {  	s3 =	sadd.s32 s3, s10;
	s30 =	spop (v2sf);
	s24 =	smul.u32 $0x66666667, s4  }
0x66: {  	[dreg:$0x12] =	wrdreg s3;
	s23 =	smulhi.u32 $0x66666667, s30;
	s30 =	sshra.s32 s30, $0x1F  }
0x67: {  	s8 =	spop (v2sf);
	s18 =	smul.u32 $0x66666667, s30  }
0x68: {  	s3 =	sshrl.u32 s3, $0x1F;
	s26 =	smulhi.u32 $0x66666667, s8;
	s2 =	sshra.s32 s8, $0x1F  }
0x69: {  	s31 =	sadd.s32 s31, s21;
	s9 =	spop (v2sf);
	s2 =	smul.u32 $0x66666667, s2  }
0x6a: {  	s8 =	sshrl.u32 s31, $0x1F;
	s0 =	smulhi.u32 $0x66666667, s9;
	s10 =	sshra.s32 s9, $0x1F  }
0x6b: {  	s7 =	sadd.s32 s12, s7;
	s29 =	spop (v2sf);
	s10 =	smul.u32 $0x66666667, s10  }
0x6c: {  	s9 =	sshrl.u32 s1, $0x1F;
	s21 =	smulhi.u32 $0x66666667, s29;
	s1 =	sshra.s32 s29, $0x1F  }
0x6d: {  	s25 =	spop (v2sf);
	s29 =	sadd.s32 s11, s6;
	s11 =	smul.u32 $0x66666667, s1  }
0x6e: {  	s22 =	spop (v2sf);
	s12 =	smulhi.u32 $0x66666667, s25;
	s6 =	sshra.s32 s25, $0x1F  }
0x6f: {  	s1 =	sadd.s32 s24, s13;
	s17 =	spop (v2sf);
	s13 =	smul.u32 $0x66666667, s6  }
0x70: {  	s6 =	sadd.s32 s18, s23;
	s18 =	smulhi.u32 $0x66666667, s22;
	s22 =	sshra.s32 s22, $0x1F  }
0x71: {  	s22 =	smul.u32 $0x66666667, s22;
	s12 =	sadd.s32 s13, s12;
	s30 =	spop (v2sf)  }
0x72: {  	s13 =	smulhi.u32 $0x66666667, s17;
	s17 =	sshra.s32 s17, $0x1F;
	s4 =	spop (v2sf)  }
0x73: {  	s25 =	sshrl.u32 s29, $0x1F;
	s17 =	smul.u32 $0x66666667, s17;
	s24 =	spop (v2sf)  }
0x74: {  	v10 =	vmov s3;
	s0 =	sadd.s32 s10, s0;
	s10 =	smulhi.u32 $0x66666667, s24;
	s23 =	sshra.s32 s24, $0x1F  }
0x75: {  	v10 =	vsel vm0, s9, v10;
	s2 =	sadd.s32 s2, s26;
	s21 =	sadd.s32 s11, s21;
	s26 =	smul.u32 $0x66666667, s23  }
0x76: {  	v10 =	vsel vm1, s8, v10;
	s18 =	sadd.s32 s22, s18;
	s22 =	sshra.s32 s0, $0x5;
	s3 =	smulhi.u32 $0x66666667, s30  }
0x77: {  	v10 =	vsel vm2, s25, v10;
	s9 =	sshrl.u32 s18, $0x1F;
	s25 =	sshra.s32 s18, $0x1F;
	s11 =	sadd.s32 s26, s10  }
0x78: {  	v9 =	vimm.s32 $0x0;
	s13 =	sadd.s32 s17, s13;
	s17 =	sshrl.u32 s2, $0x1F;
	s26 =	sshra.s32 s11, $0x1F  }
0x79: {  	v56 =	vor.u32 s28, v1;
	v9 =	vsel vm12, $0xFFFFFFFF, v9;
	s24 =	sshrl.u32 s7, $0x1F;
	s23 =	sshrl.u32 s1, $0x1F;
	s1 =	sshra.s32 s1, $0x5;
	v54 =	vmov s26  }
0x7a: {  	v57 =	vmulhi.u32 $0xCCCCCCCD, v56;
	[tilespmem:$0x1FFF0] =	vst v9;
	v12 =	vmov s23;
	s23 =	sshra.s32 s18, $0x5;
	s26 =	sshrl.u32 s0, $0x1F;
	s0 =	sshra.s32 s0, $0x1F;
	v9 =	vsel vm3, s22, v54  }
0x7b: {  	vm12 =	vcmask $0x1714;
	s10 =	sshrl.u32 s6, $0x1F;
	v11 =	vmov s26;
	s26 =	sshra.s32 s30, $0x1F;
	s30 =	sshra.s32 s21, $0x5;
	v9 =	vsel vm10, s0, v9  }
0x7c: {  	v13 =	vmov s1;
	v12 =	vsel vm0, s24, v12;
	s22 =	sshrl.u32 s21, $0x1F;
	s21 =	sshra.s32 s21, $0x1F;
	s8 =	smul.u32 $0x66666667, s26;
	v9 =	vsel vm0, s30, v9  }
0x7d: {  	v12 =	vsel vm1, s10, v12;
	v11 =	vnsel vm3, $0x0, v11;
	s26 =	smulhi.u32 $0x66666667, s4;
	s4 =	sshra.s32 s4, $0x1F;
	s30 =	sshra.s32 s12, $0x5;
	v9 =	vsel vm11, s21, v9  }
0x7e: {  	v12 =	vsel vm2, s17, v12;
	s0 =	sshrl.u32 s12, $0x1F;
	v11 =	vsel vm0, s22, v11;
	s4 =	smul.u32 $0x66666667, s4;
	s12 =	sshra.s32 s12, $0x1F;
	v9 =	vsel vm1, s30, v9  }
0x7f: {  	s17 =	sshra.s32 s7, $0x5;
	v10 =	vcombine.low v12, v10;
	s22 =	sshrl.u32 s13, $0x1F;
	v11 =	vsel vm1, s0, v11;
	s0 =	sadd.s32 s8, s3;
	v9 =	vsel vm12, s12, v9  }
0x80: {  	v13 =	vsel vm0, s17, v13;
	v11 =	vsel vm2, s9, v11;
	s24 =	sshrl.u32 s0, $0x1F;
	s4 =	sadd.s32 s4, s26;
	s9 =	rddreg [dreg:$0x12];
	v9 =	vsel vm2, s23, v9  }
0x81: {  	v10 =	vperm.xlane v10, v2;
	s30 =	sshra.s32 s13, $0x5;
	v11 =	vsel vm4, s22, v11;
	s26 =	sshrl.u32 s4, $0x1F;
	s3 =	sshra.s32 s9, $0x5;
	v9 =	vsel vm13, s25, v9  }
0x82: {  	s12 =	sshra.s32 s13, $0x1F;
	s13 =	rddreg [dreg:$0x11];
	s22 =	sshra.s32 s6, $0x5;
	v11 =	vsel vm5, s24, v11;
	v55 =	vmov s3;
	v9 =	vsel vm4, s30, v9  }
0x83: {  	s2 =	sshra.s32 s2, $0x5;
	s18 =	sshra.s32 s0, $0x5;
	s9 =	sshra.s32 s13, $0x5;
	v13 =	vsel vm1, s22, v13;
	v11 =	vsel vm6, s26, v11;
	v9 =	vsel vm14, s12, v9  }
0x84: {  	s21 =	sshra.s32 s31, $0x5;
	s0 =	sshra.s32 s0, $0x1F;
	v12 =	vsel vm0, s9, v55;
	s25 =	sshrl.u32 s11, $0x1F;
	v13 =	vsel vm2, s2, v13;
	v9 =	vsel vm5, s18, v9  }
0x85: {  	s23 =	sshra.s32 s29, $0x5;
	s24 =	sshra.s32 s4, $0x5;
	v12 =	vsel vm1, s21, v12;
	v11 =	vsel vm7, s25, v11;
	v9 =	vsel vm15, s0, v9  }
0x86: {  	s26 =	sshra.s32 s4, $0x1F;
	v12 =	vsel vm2, s23, v12;
	v11 =	vperm.xlane v11, v3;
	v9 =	vsel vm6, s24, v9  }
0x87: {  	s29 =	sshra.s32 s11, $0x5;
	v12 =	vcombine.low v13, v12;
	v9 =	vsel vm9, s26, v9  }
0x88: {  	v10 =	vsel vm8, v11, v10;
	v11 =	vshrl.u32 v57, $0x6;
	v9 =	vsel vm7, s29, v9  }
0x89: {  	v12 =	vperm.xlane v12, v2;
	v11 =	vmul.u32 $0x50, v11;
	v9 =	vperm.xlane v9, v3  }
0x8a: {  	v58 =	vmov s28  }
0x8b: {  	vm1 =	vmmov vm11;
	v11 =	vsub.s32 v56, v11;
	v9 =	vsel vm8, v9, v12  }
0x8c: {  	vm2 =	vmmov vm8;
	vm12 =	vne.s32 v11, $0x0;
	v9 =	vadd.s32 v10, v9  }
0x8d: {  	vm8 =	vmmov vm7;
	vm7 =	vmmov vm6;
	v10 =	vmul.u32 $0xFFFFFFB0, v9  }
0x8e: {  	vm6 =	vmmov vm5;
	vm5 =	vmmov vm4;
	vm4 =	vmmov vm3  }
0x8f: {  	vm3 =	vmmov vm13;
	vm13 =	vmmov vm10;
	v10 =	vadd.s32 v8, v10  }
0x90: {  	vm10 =	vlt.s32 v8, $0x1;
	v12 =	vmulhi.u32 $0xCCCCCCCD, v58;
	vm11 =	vne.s32 v10, $0x0  }
0x91: {  	v15 =	vadd.s32 $0x50, v10;
	vm10 =	vmand vm10, vm11;
	vm11 =	veq.s32 v58, v1  }
0x92: {  	v63 =	vld [tilespmem:$0x1FFF0];
	v14 =	vsel vm10, $0xFFFFFFFF, v0;
	vm10 =	vmand vm11, vm12;
	vm11 =	vlt.s32 v10, $0x0  }
0x93: {  	v12 =	vshrl.u32 v12, $0x6;
	v10 =	vsel vm11, v15, v10;
	v9 =	vadd.s32 v14, v9  }
0x94: {  	v59 =	vsel vm10, $0xFFFFFFFF, v0;
	v60 =	vand.u32 $0xFFFFFF80, v10;
	v9 =	vshll.u32 v9, $0x7  }
0x95: {  	v10 =	vand.u32 $0x7F, v10;
	v12 =	vadd.s32 v59, v12;
	v9 =	vadd.s32 v60, v9  }
0x96: {  	v61 =	vshll.u32 v12, $0x7;
	v9 =	vor.u32 v10, v9  }
0x97: {  	vm12 =	vnez.u8 v63;
	v10 =	vor.u32 v11, v61  }
0x98: {  	p0 =	sne.s32 s28, $0x810  }
.Ltmp2:
0x99: {  	v62 =	vadd.s32 v4, v56;
	s9 =	simm.s32 $0x880;
	vm9 =	vcmask $0x3734;
	(pc) =	sbr.rel @p0 .LBB2_7-.Ltmp2, $4  }
0x9a: {  	s30 =	rddreg [dreg:$0x3];
	[tilespmem:v8+s9+$0x0] =	vst.idx.msk $0xffff, v56;
	v8 =	vadd.s32 v5, v8;
	vm11 =	vmmov vm1;
	vm10 =	vmmov vm13  }
0x9b: {  	s10 =	simm.s32 $0x2200;
	vm13 =	vmmov vm3;
	vm3 =	vmmov vm4;
	vm4 =	vmmov vm5;
	[tilespmem:v9+s30+$0x0] =	vst.idx.msk $0xffff, v62  }
0x9c: {  	s31 =	rddreg [dreg:$0x10];
	vm5 =	vmmov vm6;
	vm6 =	vmmov vm7;
	vm7 =	vmmov vm8;
	[tilespmem:v10+s10+$0x0] =	vst.idx.msk $0xffff, v8  }
0x9d: {  	s28 =	sadd.s32 $0x10, s28;
	s0 =	sadd.s32 $0x10, s31;
	vm8 =	vmmov vm2;
	vm1 =	vcmask $0x1310;
	vm2 =	vcmask $0x1B18;
	[tilespmem:v6+s15+$0x0] =	vst.idx.add.s32.msk vm12, v7  }
0x9e: {  	s0 =	rddreg [dreg:$0x5]  }
0x9f: {  	s1 =	rddreg [dreg:$0xf]  }
0xa0: {  	s7 =	simm.s32 $0x80;
	s8 =	simm.s32 $0x400;
	s0 =	sadd.s32 s0, s1  }
0xa1: {  	[hbm4b:s0+s7] =	stream.strided.scatter [tilespmem:s9], [sflag:$0x2], $0x880, s8, s7, $0x38;
	[tilespmem:$0x5A00] =	vst v63  }
0xa2: {  	_ =	swait.ge [sflag:s14], $0x880  }
0xa3: {  	[sflag:s14] =	ssyncset.done $0x0  }
0xa4: {  	s28 =	rddreg [dreg:$0xe];
	[sflag:s14] =	ssyncadd.s32 $0xFFFFF780  }
0xa5: {  	s0 =	sshll.u32 s28, $0x9;
	s29 =	rddreg [dreg:$0x1]  }
0xa6: {  	s30 =	simm.s32 $0x0;
	s0 =	sadd.s32 s29, s0  }
0xa7: {  	[hbm4b:s0+s30] =	stream.linear.scatter [tilespmem:s10], [sflag:$0x2], $0xD00, $0x38;
	[tilespmem:$0x5A00] =	vst v63  }
0xa8: {  	_ =	swait.ge [sflag:s14], $0xD00  }
0xa9: {  	[sflag:s14] =	ssyncset.done $0x0  }
0xaa: {  	s31 =	simm.s32 $0x1200;
	[sflag:s14] =	ssyncadd.s32 $0xFFFFF300  }
0xab: {  	[tilespmem:s20], [sflag:$0x1] =	stream.indirect.gather [hbm4b:s5+s19], $0x80, s31, s19, $0xb8;
	[tilespmem:$0x5A00] =	vst v63  }
0xac: {  	_ =	swait.ge [sflag:s16], $0x2800  }
0xad: {  	[sflag:s16] =	ssyncset.done $0x0  }
0xae: {  	s6 =	simm.s32 $0x0;
	s9 =	rddreg [dreg:$0xc];
	[sflag:s16] =	ssyncadd.s32 $0xFFFFD800  }
0xaf: {  	[hbm4b:s9+s6] =	stream.linear.scatter [tilespmem:s20], [sflag:$0x2], $0x2800, $0x38;
	[tilespmem:$0x5A00] =	vst v63  }
0xb0: {  	s3 =	simm.s32 $0x80;
	_ =	swait.ge [sflag:s14], $0x2800  }
0xb1: {  	s1 =	simm.s32 $0x400;
	s0 =	sadd.s32 $0x500, s9;
	[sflag:s14] =	ssyncset.done $0x0  }
.LBB2_9:
0xb2: {  	s2 =	sadd.s32 $0x1200, s3  }
0xb3: {  	[sflag:s14] =	ssyncadd.s32 $0xFFFFD800;
	s3 =	smov.u32 s1;
	s4 =	sadd.s32 $0x200, s1  }
0xb4: {  	[tilespmem:s20], [sflag:$0x1] =	stream.indirect.gather [hbm4b:s5+s19], $0x80, s2, s19, $0xb8;
	[tilespmem:$0x5A00] =	vst v63  }
0xb5: {  	p0 =	sne.s32 s1, $0x3200;
	_ =	swait.ge [sflag:s16], $0x2800  }
.Ltmp3:
0xb6: {  	[sflag:s16] =	ssyncset.done $0x0;
	(pc) =	sbr.rel @p0 .LBB2_9-.Ltmp3, $4  }
0xb7: {  	[sflag:s16] =	ssyncadd.s32 $0xFFFFD800  }
0xb8: {  	[hbm4b:s0+s6] =	stream.linear.scatter [tilespmem:s20], [sflag:$0x2], $0x2800, $0x38;
	[tilespmem:$0x5A00] =	vst v63  }
0xb9: {  	s3 =	sshra.s32 s3, $0x2;
	_ =	swait.ge [sflag:s14], $0x2800  }
0xba: {  	s1 =	smov.u32 s4;
	s0 =	sadd.s32 $0x500, s0;
	[sflag:s14] =	ssyncset.done $0x0  }
0xbb: {  	s1 =	sadd.s32 $0x1200, s3;
	[sflag:s14] =	ssyncadd.s32 $0xFFFFD800  }
0xbc: {  	[tilespmem:s20], [sflag:$0x1] =	stream.indirect.gather [hbm4b:s5+s19], $0x80, s1, s19, $0xb8;
	[tilespmem:$0x5A00] =	vst v63  }
0xbd: {  	_ =	swait.ge [sflag:s16], $0x2800  }
0xbe: {  	[sflag:s16] =	ssyncset.done $0x0  }
0xbf: {  	[sflag:s16] =	ssyncadd.s32 $0xFFFFD800  }
0xc0: {  	[hbm4b:s0+s6] =	stream.linear.scatter [tilespmem:s20], [sflag:$0x2], $0x2800, $0x38;
	[tilespmem:$0x5A00] =	vst v63  }
0xc1: {  	_ =	swait.ge [sflag:s14], $0x2800  }
0xc2: {  	s2 =	rddreg [dreg:$0xd]  }
0xc3: {  	s2 =	sadd.s32 $0x1, s2  }
0xc4: {  	p0 =	sne.s32 s2, $0x4  }
.Ltmp4:
0xc5: {  	_ = 	snop;
	(pc) =	sbr.rel @p0 .LBB2_2-.Ltmp4, $3  }
0xc6: {  	_ =	sdelay $0x1  }
0xc7: {  	[sflag:s14] =	ssyncset.done $0x0  }
0xc8: {  	s9 =	sadd.s32 $0x8200, s9;
	[sflag:s14] =	ssyncadd.s32 $0xFFFFD800  }
0xc9: {  	s1 =	rddreg [dreg:$0xb]  }
0xca: {  	s0 =	rddreg [dreg:$0x9];
	s1 =	sadd.s32 $0x1, s1  }
0xcb: {  	p0 =	sne.s32 s1, s0  }
.Ltmp5:
0xcc: {  	_ = 	snop;
	(pc) =	sbr.rel @p0 .LBB2_1-.Ltmp5, $1  }
0xcd: {  	_ =	sdelay $0x3  }
0xce: {  	_ =	sfence.sel $0x180000  }
0xcf: {  	[bflag:$0x0] =	sbarrier.arrive $0xFFFF  }
0xd0: {  	_ =	strace $0x90000047  }
0xd1: {  	s0 =	stileid.u32;
	[bflag:$0x2] =	sbarrier.arrive $0xFFFF  }
0xd2: {  	p0 =	sne.s32 s0, $0x0;
	s0 =	rddreg [dreg:$0x2]  }
0xd3: {  	s0 =	sadd.s32 @!p0 $0x100000, s0  }
0xd4: {  	[sflag:s0] =	ssyncadd.tile.s32 @!p0 $0x1;
	_ =	shalt  }
.Lfunc_end2:
_tile_overlayer_lowered:
.L_overlay_start_2:
0xd5: {  	(tag) =	ssettag $0x2  }
0xd6: {  	s0 =	rddreg [dreg:$0x0];
	s2 =	stileid.u32  }
0xd7: {  	s1 =	rddreg [dreg:$0x1];
	p0 =	sne.s32 s2, $0x0  }
0xd8: {  	s3 =	rddreg [dreg:$0x2];
	[bflag:$0x3] =	sbarrier.arrive $0xFFFF;
	s2 =	simm.s32 @!p0 $0x1C02  }
0xd9: {  	[timem:s3], [sflag:s2] =	dma.local @!p0 [hbm:s0], s1  }
0xda: {  	s0 =	simm.s32 @!p0 $0x2  }
0xdb: {  	_ =	swait.ge @!p0 [sflag:s0], s1  }
0xdc: {  	s1 =	ssub.s32 @!p0 $0x0, s1;
	[sflag:s0] =	ssyncset.done @!p0 $0x0  }
0xdd: {  	[sflag:s0] =	ssyncadd.s32 @!p0 s1  }
0xde: {  	[bflag:$0x3] =	sbarrier.arrive $0xFFFF  }
0xdf: {  	_ =	shalt  }

</sc_bundles>
